<compile_context>
chip_gen: v7x
topology: tpu7x:2x2x1
jax: 0.10.2.dev20260603
libtpu: 0.0.44.dev20260713+nightly
codegen_flags: <defaults>
</compile_context>

<pallas_src>
import functools

import jax
import jax.numpy as jnp
from jax import lax
from jax.experimental import pallas as pl
from jax.experimental.pallas import tpu as pltpu
from jax.experimental.pallas import tpu_sc as plsc

_B = 16384
_F = 26
_V = 100000
_D = 16
_NF = _F + 1
_NPAIR = _NF * (_NF - 1) // 2

_NW = 32
_ROWS = _F * _B
_RPW = _ROWS // _NW
_TR = 128
_NT = _RPW // _TR
_K = 8
_NSUP = _NT // _K

_BBLK = 512


def _gather_body(table_hbm, idx_hbm, out_hbm, idx_v, rows_v, gsem):
    wid = lax.axis_index("s") * 2 + lax.axis_index("c")
    wbase = wid * _RPW
    pltpu.sync_copy(idx_hbm.at[wid], idx_v)

    def super_body(s, carry):
        base = s * _K
        copies = []
        for b in range(_K):
            copies.append(
                pltpu.async_copy(table_hbm.at[idx_v.at[base + b]],
                                 rows_v.at[b], gsem))
        for cp in copies:
            cp.wait()
        for b in range(_K):
            off = pl.multiple_of(wbase + (base + b) * _TR, 8)
            pltpu.sync_copy(rows_v.at[b], out_hbm.at[pl.ds(off, _TR)])
        return carry

    lax.fori_loop(0, _NSUP, super_body, 0)


def _sc_gather(table_flat, idx3):
    mesh = plsc.VectorSubcoreMesh(core_axis_name="c", subcore_axis_name="s")
    k = functools.partial(
        pl.kernel,
        mesh=mesh,
        out_type=jax.ShapeDtypeStruct((_ROWS, _D), jnp.float32),
        scratch_types=[
            pltpu.VMEM((_NT, _TR), jnp.int32),
            pltpu.VMEM((_K, _TR, _D), jnp.float32),
            pltpu.SemaphoreType.DMA,
        ],
        compiler_params=pltpu.CompilerParams(use_tc_tiling_on_sc=False),
    )(_gather_body)
    return k(table_flat, idx3)


def _dense_body(emb_ref, price_ref, wp_ref, bp_ref, w1_ref, b1_ref, w2_ref,
                b2_ref, mi_ref, wtd_ref, bt1_ref, wt2_ref, bt2_ref,
                out_ref, ft_ref, g_ref):
    de = wp_ref[...] * price_ref[...] + bp_ref[...]
    for f in range(_F):
        xf = emb_ref[f, :16, :]
        ft_ref[f] = jnp.concatenate([xf, xf, xf, xf], axis=1)
    ft_ref[_F] = de
    ft = ft_ref[...]
    off = 0
    for i in range(_NF - 1):
        cnt = _NF - 1 - i
        gi = jnp.sum(ft[i + 1:] * ft[i:i + 1], axis=1)
        g_ref[off:off + cnt] = gi
        off += cnt
    h = jnp.maximum(
        jnp.dot(w1_ref[...], de, preferred_element_type=jnp.float32)
        + b1_ref[...], 0.0)
    di = jnp.maximum(
        jnp.dot(w2_ref[...], h, preferred_element_type=jnp.float32)
        + b2_ref[...], 0.0)
    tp = (jnp.dot(mi_ref[...], g_ref[...], preferred_element_type=jnp.float32)
          + jnp.dot(wtd_ref[...], di, preferred_element_type=jnp.float32)
          + bt1_ref[...])
    t = jnp.maximum(tp, 0.0)
    out_ref[...] = (jnp.dot(wt2_ref[...], t, preferred_element_type=jnp.float32)
                    + bt2_ref[...])


def _tc_dense(emb, price2, wp, bp2, w1, b12, w2, b22, m_int, wt1d, bt12,
              wt2, bt22):
    nblk = _B // _BBLK
    full = lambda a: pl.BlockSpec(a.shape, lambda i: tuple(0 for _ in a.shape))
    out2 = pl.pallas_call(
        _dense_body,
        grid=(nblk,),
        in_specs=[
            pl.BlockSpec((_F, _BBLK // 8, 128), lambda i: (0, i, 0)),
            pl.BlockSpec((1, _BBLK), lambda i: (0, i)),
            full(wp), full(bp2), full(w1), full(b12),
            full(w2), full(b22), full(m_int),
            full(wt1d), full(bt12), full(wt2), full(bt22),
        ],
        out_specs=pl.BlockSpec((1, _BBLK), lambda i: (0, i)),
        out_shape=jax.ShapeDtypeStruct((1, _B), jnp.float32),
        scratch_shapes=[
            pltpu.VMEM((_NF, _D, _BBLK), jnp.float32),
            pltpu.VMEM((_NPAIR, _BBLK), jnp.float32),
        ],
    )(emb, price2, wp, bp2, w1, b12, w2, b22, m_int, wt1d, bt12, wt2, bt22)
    return out2


def kernel(x_cat, price, tables, W_price, b_price, W1, b1, W2, b2,
           Wt1, bt1, Wt2, bt2):
    offs = (jnp.arange(_F, dtype=jnp.int32) * _V)[:, None]
    idx3 = (x_cat.astype(jnp.int32) + offs).reshape(_NW, _NT, _TR)
    table_flat = tables.reshape(_F * _V, _D)
    emb_flat = _sc_gather(table_flat, idx3)
    emb = emb_flat.reshape(_F, _B // 8, 128)
    out2 = _tc_dense(
        emb,
        price.reshape(1, _B),
        W_price,
        b_price.reshape(_D, 1),
        W1, b1.reshape(-1, 1),
        W2, b2.reshape(-1, 1),
        Wt1[:, :_NPAIR],
        Wt1[:, _NPAIR:],
        bt1.reshape(-1, 1),
        Wt2,
        bt2.reshape(1, 1),
    )
    return out2.reshape(_B)

# --- scband reference (transcript-rebuilt; emitter-appended) ---
"""Pipeline reference for scband-dlrmmodel-21122649161846 (READ-ONLY COPY).

The authoritative reference and input builder live on the scoring server;
editing this copy changes nothing except your own understanding.
"""

import jax, jax.numpy as jnp
import numpy as np

B = 16384
F = 26
V = 100000
D = 16


def setup_inputs(seed: int = 0) -> dict:
    key = jax.random.key(seed)
    ks = jax.random.split(key, 12)
    x_cat = jax.random.randint(ks[0], (F, B), 0, V)
    price = jax.random.normal(ks[1], (B,), dtype=jnp.float32)
    tables = jax.random.normal(ks[2], (F, V, D), dtype=jnp.float32) * 0.02
    W_price = jax.random.normal(ks[3], (D, 1), dtype=jnp.float32) * 0.1
    b_price = jnp.zeros((D,), dtype=jnp.float32)
    W1 = jax.random.normal(ks[4], (64, D), dtype=jnp.float32) * 0.1
    b1 = jnp.zeros((64,), dtype=jnp.float32)
    W2 = jax.random.normal(ks[5], (32, 64), dtype=jnp.float32) * 0.1
    b2 = jnp.zeros((32,), dtype=jnp.float32)
    num_features = F + 1
    num_interactions = num_features * (num_features - 1) // 2  # 351
    top_in = num_interactions + 32  # 383
    Wt1 = jax.random.normal(ks[6], (32, top_in), dtype=jnp.float32) * 0.1
    bt1 = jnp.zeros((32,), dtype=jnp.float32)
    Wt2 = jax.random.normal(ks[7], (1, 32), dtype=jnp.float32) * 0.1
    bt2 = jnp.zeros((1,), dtype=jnp.float32)
    return {"x_cat": x_cat, "price": price, "tables": tables,
            "W_price": W_price, "b_price": b_price,
            "W1": W1, "b1": b1, "W2": W2, "b2": b2,
            "Wt1": Wt1, "bt1": bt1, "Wt2": Wt2, "bt2": bt2}


def reference(x_cat, price, tables, W_price, b_price, W1, b1, W2, b2, Wt1, bt1, Wt2, bt2):
    # per-field embedding lookup: tables[i][x_cat[i]]
    emb = jax.vmap(lambda t, idx: jnp.take(t, idx, axis=0))(tables, x_cat)  # [F, B, D]
    # dense (price) projection: Linear(1, D)
    dense_embed = price[:, None] @ W_price.T + b_price  # [B, D]
    feats = jnp.concatenate([emb, dense_embed[None]], axis=0)  # [F+1, B, D]
    # pairwise dot-product interactions, upper triangle i<j (row-major, matches torch loop order)
    G = jnp.einsum('ibd,jbd->bij', feats, feats)  # [B, F+1, F+1]
    iu = np.triu_indices(F + 1, k=1)
    interaction_term = G[:, iu[0], iu[1]]  # [B, 351]
    # bottom MLP on dense embedding
    h = jax.nn.relu(dense_embed @ W1.T + b1)
    dense_input = jax.nn.relu(h @ W2.T + b2)  # [B, 32]
    concat = jnp.concatenate([interaction_term, dense_input], axis=1)  # [B, 383]
    t = jax.nn.relu(concat @ Wt1.T + bt1)
    out = (t @ Wt2.T + bt2)[:, 0]  # [B]
    return out

if __name__ == "__main__":
    import jax
    _d = setup_inputs()
    print(jax.jit(kernel)(*tuple(_d.values())))

</pallas_src>

<mosaic_0001>
#map = affine_map<(d0, d1) -> (0, 0)>
#map1 = affine_map<(d0, d1) -> (0, 0, 0)>
module attributes {stable_mosaic.version = 14 : i64} {
  func.func @_gather_body(%arg0: i32, %arg1: i32, %arg2: memref<2600000x16xf32, #tpu.memory_space<hbm>>, %arg3: memref<32x104x128xi32, #tpu.memory_space<hbm>>, %arg4: memref<425984x16xf32, #tpu.memory_space<hbm>>, %arg5: memref<104x128xi32, #tpu.memory_space<vmem>>, %arg6: memref<8x128x16xf32, #tpu.memory_space<vmem>>, %arg7: memref<!tpu.dma_semaphore, #tpu.memory_space<semaphore_mem>>) attributes {dimension_semantics = [#tpu.dimension_semantics<core_parallel>, #tpu.dimension_semantics<subcore_parallel>], iteration_bounds = array<i64: 2, 16>, scalar_prefetch = 0 : i64, scratch_operands = 3 : i64, tpu.core_type = #tpu.core_type<sc_vector_subcore>, window_params = [{transform_indices = #map}, {transform_indices = #map1}, {transform_indices = #map}]} {
    %mul3A = arith.constant 2 : i32
    %mul3A_0 = arith.muli %arg1, %mul3A : i32
    %add3A = arith.addi %mul3A_0, %arg0 : i32
    %mul3A_1 = arith.constant 13312 : i32
    %mul3A_2 = arith.muli %add3A, %mul3A_1 : i32
    "tpu.region"() ({
      %run_scoped3A = tpu.sem_alloc : memref<!tpu.dma_semaphore, #tpu.memory_space<semaphore_mem>>
      %dma_start3A = arith.constant 0 : i32
      %dma_start3A_8 = arith.constant 0 : i32
      %dma_start3A_9 = tpu.memref_slice %arg3[%add3A, %dma_start3A, %dma_start3A_8] : memref<32x104x128xi32, #tpu.memory_space<hbm>> -> memref<1x104x128xi32, #tpu.memory_space<hbm>>
      %dma_start3A_10 = tpu.memref_squeeze %dma_start3A_9 : memref<1x104x128xi32, #tpu.memory_space<hbm>> -> memref<104x128xi32, #tpu.memory_space<hbm>>
      %dma_start3A_11 = arith.constant 0 : i32
      %dma_start3A_12 = arith.constant 0 : i32
      %dma_start3A_13 = tpu.memref_slice %arg3[%add3A, %dma_start3A_11, %dma_start3A_12] : memref<32x104x128xi32, #tpu.memory_space<hbm>> -> memref<1x104x128xi32, #tpu.memory_space<hbm>>
      %dma_start3A_14 = tpu.memref_squeeze %dma_start3A_13 : memref<1x104x128xi32, #tpu.memory_space<hbm>> -> memref<104x128xi32, #tpu.memory_space<hbm>>
      tpu.enqueue_dma source(%dma_start3A_14 : memref<104x128xi32, #tpu.memory_space<hbm>>) target(%arg5 : memref<104x128xi32, #tpu.memory_space<vmem>>) target_semaphore(%run_scoped3A : memref<!tpu.dma_semaphore, #tpu.memory_space<semaphore_mem>>)
      %dma_wait3A = arith.constant 0 : i32
      %dma_wait3A_15 = arith.constant 0 : i32
      %dma_wait3A_16 = tpu.memref_slice %arg3[%add3A, %dma_wait3A, %dma_wait3A_15] : memref<32x104x128xi32, #tpu.memory_space<hbm>> -> memref<1x104x128xi32, #tpu.memory_space<hbm>>
      %dma_wait3A_17 = tpu.memref_squeeze %dma_wait3A_16 : memref<1x104x128xi32, #tpu.memory_space<hbm>> -> memref<104x128xi32, #tpu.memory_space<hbm>>
      %dma_wait3A_18 = arith.constant 0 : i32
      %dma_wait3A_19 = arith.constant 0 : i32
      %dma_wait3A_20 = tpu.memref_slice %arg3[%add3A, %dma_wait3A_18, %dma_wait3A_19] : memref<32x104x128xi32, #tpu.memory_space<hbm>> -> memref<1x104x128xi32, #tpu.memory_space<hbm>>
      %dma_wait3A_21 = tpu.memref_squeeze %dma_wait3A_20 : memref<1x104x128xi32, #tpu.memory_space<hbm>> -> memref<104x128xi32, #tpu.memory_space<hbm>>
      tpu.wait_dma2 semaphore(%run_scoped3A : memref<!tpu.dma_semaphore, #tpu.memory_space<semaphore_mem>>) src(%dma_wait3A_21 : memref<104x128xi32, #tpu.memory_space<hbm>>) dst(%arg5 : memref<104x128xi32, #tpu.memory_space<vmem>>)
      tpu.yield
    }) : () -> ()
    %scan3A = arith.constant 0 : i32
    %scan3A_3 = arith.constant 0 : i32
    %scan3A_4 = arith.constant 13 : i32
    %scan3A_5 = arith.addi %scan3A_3, %scan3A_4 : i32
    %scan3A_6 = arith.constant 1 : i32
    scf.for %scan3A_8 = %scan3A_3 to %scan3A_5 step %scan3A_6  : i32 {
      %mul3A_9 = arith.constant 8 : i32
      %mul3A_10 = arith.muli %scan3A_8, %mul3A_9 : i32
      %add3A_11 = arith.constant 0 : i32
      %add3A_12 = arith.addi %mul3A_10, %add3A_11 : i32
      %dma_start3A = arith.constant 0 : i32
      %dma_start3A_13 = arith.constant 0 : i32
      %dma_start3A_14 = arith.constant 0 : i32
      %dma_start3A_15 = tpu.memref_slice %arg6[%dma_start3A, %dma_start3A_13, %dma_start3A_14] : memref<8x128x16xf32, #tpu.memory_space<vmem>> -> memref<1x128x16xf32, #tpu.memory_space<vmem>>
      %dma_start3A_16 = tpu.memref_squeeze %dma_start3A_15 : memref<1x128x16xf32, #tpu.memory_space<vmem>> -> memref<128x16xf32, #tpu.memory_space<vmem>>
      %dma_start3A_17 = arith.constant 0 : i32
      %dma_start3A_18 = tpu.memref_slice %arg5[%add3A_12, %dma_start3A_17] : memref<104x128xi32, #tpu.memory_space<vmem>> -> memref<1x128xi32, #tpu.memory_space<vmem>>
      %dma_start3A_19 = tpu.memref_squeeze %dma_start3A_18 : memref<1x128xi32, #tpu.memory_space<vmem>> -> memref<128xi32, #tpu.memory_space<vmem>>
      %dma_start3A_20 = arith.constant 0 : i32
      %dma_start3A_21 = arith.constant 0 : i32
      %dma_start3A_22 = tpu.memref_slice %arg2[%dma_start3A_20, %dma_start3A_21] : memref<2600000x16xf32, #tpu.memory_space<hbm>> -> memref<2600000x16xf32, #tpu.memory_space<hbm>>
      tpu.enqueue_indirect_dma source(%dma_start3A_22 : memref<2600000x16xf32, #tpu.memory_space<hbm>>) target(%dma_start3A_16 : memref<128x16xf32, #tpu.memory_space<vmem>>) offsets(%dma_start3A_19 : memref<128xi32, #tpu.memory_space<vmem>>) semaphore(%arg7 : memref<!tpu.dma_semaphore, #tpu.memory_space<semaphore_mem>>)
      %add3A_23 = arith.constant 1 : i32
      %add3A_24 = arith.addi %mul3A_10, %add3A_23 : i32
      %dma_start3A_25 = arith.constant 1 : i32
      %dma_start3A_26 = arith.constant 0 : i32
      %dma_start3A_27 = arith.constant 0 : i32
      %dma_start3A_28 = tpu.memref_slice %arg6[%dma_start3A_25, %dma_start3A_26, %dma_start3A_27] : memref<8x128x16xf32, #tpu.memory_space<vmem>> -> memref<1x128x16xf32, #tpu.memory_space<vmem>>
      %dma_start3A_29 = tpu.memref_squeeze %dma_start3A_28 : memref<1x128x16xf32, #tpu.memory_space<vmem>> -> memref<128x16xf32, #tpu.memory_space<vmem>>
      %dma_start3A_30 = arith.constant 0 : i32
      %dma_start3A_31 = tpu.memref_slice %arg5[%add3A_24, %dma_start3A_30] : memref<104x128xi32, #tpu.memory_space<vmem>> -> memref<1x128xi32, #tpu.memory_space<vmem>>
      %dma_start3A_32 = tpu.memref_squeeze %dma_start3A_31 : memref<1x128xi32, #tpu.memory_space<vmem>> -> memref<128xi32, #tpu.memory_space<vmem>>
      %dma_start3A_33 = arith.constant 0 : i32
      %dma_start3A_34 = arith.constant 0 : i32
      %dma_start3A_35 = tpu.memref_slice %arg2[%dma_start3A_33, %dma_start3A_34] : memref<2600000x16xf32, #tpu.memory_space<hbm>> -> memref<2600000x16xf32, #tpu.memory_space<hbm>>
      tpu.enqueue_indirect_dma source(%dma_start3A_35 : memref<2600000x16xf32, #tpu.memory_space<hbm>>) target(%dma_start3A_29 : memref<128x16xf32, #tpu.memory_space<vmem>>) offsets(%dma_start3A_32 : memref<128xi32, #tpu.memory_space<vmem>>) semaphore(%arg7 : memref<!tpu.dma_semaphore, #tpu.memory_space<semaphore_mem>>)
      %add3A_36 = arith.constant 2 : i32
      %add3A_37 = arith.addi %mul3A_10, %add3A_36 : i32
      %dma_start3A_38 = arith.constant 2 : i32
      %dma_start3A_39 = arith.constant 0 : i32
      %dma_start3A_40 = arith.constant 0 : i32
      %dma_start3A_41 = tpu.memref_slice %arg6[%dma_start3A_38, %dma_start3A_39, %dma_start3A_40] : memref<8x128x16xf32, #tpu.memory_space<vmem>> -> memref<1x128x16xf32, #tpu.memory_space<vmem>>
      %dma_start3A_42 = tpu.memref_squeeze %dma_start3A_41 : memref<1x128x16xf32, #tpu.memory_space<vmem>> -> memref<128x16xf32, #tpu.memory_space<vmem>>
      %dma_start3A_43 = arith.constant 0 : i32
      %dma_start3A_44 = tpu.memref_slice %arg5[%add3A_37, %dma_start3A_43] : memref<104x128xi32, #tpu.memory_space<vmem>> -> memref<1x128xi32, #tpu.memory_space<vmem>>
      %dma_start3A_45 = tpu.memref_squeeze %dma_start3A_44 : memref<1x128xi32, #tpu.memory_space<vmem>> -> memref<128xi32, #tpu.memory_space<vmem>>
      %dma_start3A_46 = arith.constant 0 : i32
      %dma_start3A_47 = arith.constant 0 : i32
      %dma_start3A_48 = tpu.memref_slice %arg2[%dma_start3A_46, %dma_start3A_47] : memref<2600000x16xf32, #tpu.memory_space<hbm>> -> memref<2600000x16xf32, #tpu.memory_space<hbm>>
      tpu.enqueue_indirect_dma source(%dma_start3A_48 : memref<2600000x16xf32, #tpu.memory_space<hbm>>) target(%dma_start3A_42 : memref<128x16xf32, #tpu.memory_space<vmem>>) offsets(%dma_start3A_45 : memref<128xi32, #tpu.memory_space<vmem>>) semaphore(%arg7 : memref<!tpu.dma_semaphore, #tpu.memory_space<semaphore_mem>>)
      %add3A_49 = arith.constant 3 : i32
      %add3A_50 = arith.addi %mul3A_10, %add3A_49 : i32
      %dma_start3A_51 = arith.constant 3 : i32
      %dma_start3A_52 = arith.constant 0 : i32
      %dma_start3A_53 = arith.constant 0 : i32
      %dma_start3A_54 = tpu.memref_slice %arg6[%dma_start3A_51, %dma_start3A_52, %dma_start3A_53] : memref<8x128x16xf32, #tpu.memory_space<vmem>> -> memref<1x128x16xf32, #tpu.memory_space<vmem>>
      %dma_start3A_55 = tpu.memref_squeeze %dma_start3A_54 : memref<1x128x16xf32, #tpu.memory_space<vmem>> -> memref<128x16xf32, #tpu.memory_space<vmem>>
      %dma_start3A_56 = arith.constant 0 : i32
      %dma_start3A_57 = tpu.memref_slice %arg5[%add3A_50, %dma_start3A_56] : memref<104x128xi32, #tpu.memory_space<vmem>> -> memref<1x128xi32, #tpu.memory_space<vmem>>
      %dma_start3A_58 = tpu.memref_squeeze %dma_start3A_57 : memref<1x128xi32, #tpu.memory_space<vmem>> -> memref<128xi32, #tpu.memory_space<vmem>>
      %dma_start3A_59 = arith.constant 0 : i32
      %dma_start3A_60 = arith.constant 0 : i32
      %dma_start3A_61 = tpu.memref_slice %arg2[%dma_start3A_59, %dma_start3A_60] : memref<2600000x16xf32, #tpu.memory_space<hbm>> -> memref<2600000x16xf32, #tpu.memory_space<hbm>>
      tpu.enqueue_indirect_dma source(%dma_start3A_61 : memref<2600000x16xf32, #tpu.memory_space<hbm>>) target(%dma_start3A_55 : memref<128x16xf32, #tpu.memory_space<vmem>>) offsets(%dma_start3A_58 : memref<128xi32, #tpu.memory_space<vmem>>) semaphore(%arg7 : memref<!tpu.dma_semaphore, #tpu.memory_space<semaphore_mem>>)
      %add3A_62 = arith.constant 4 : i32
      %add3A_63 = arith.addi %mul3A_10, %add3A_62 : i32
      %dma_start3A_64 = arith.constant 4 : i32
      %dma_start3A_65 = arith.constant 0 : i32
      %dma_start3A_66 = arith.constant 0 : i32
      %dma_start3A_67 = tpu.memref_slice %arg6[%dma_start3A_64, %dma_start3A_65, %dma_start3A_66] : memref<8x128x16xf32, #tpu.memory_space<vmem>> -> memref<1x128x16xf32, #tpu.memory_space<vmem>>
      %dma_start3A_68 = tpu.memref_squeeze %dma_start3A_67 : memref<1x128x16xf32, #tpu.memory_space<vmem>> -> memref<128x16xf32, #tpu.memory_space<vmem>>
      %dma_start3A_69 = arith.constant 0 : i32
      %dma_start3A_70 = tpu.memref_slice %arg5[%add3A_63, %dma_start3A_69] : memref<104x128xi32, #tpu.memory_space<vmem>> -> memref<1x128xi32, #tpu.memory_space<vmem>>
      %dma_start3A_71 = tpu.memref_squeeze %dma_start3A_70 : memref<1x128xi32, #tpu.memory_space<vmem>> -> memref<128xi32, #tpu.memory_space<vmem>>
      %dma_start3A_72 = arith.constant 0 : i32
      %dma_start3A_73 = arith.constant 0 : i32
      %dma_start3A_74 = tpu.memref_slice %arg2[%dma_start3A_72, %dma_start3A_73] : memref<2600000x16xf32, #tpu.memory_space<hbm>> -> memref<2600000x16xf32, #tpu.memory_space<hbm>>
      tpu.enqueue_indirect_dma source(%dma_start3A_74 : memref<2600000x16xf32, #tpu.memory_space<hbm>>) target(%dma_start3A_68 : memref<128x16xf32, #tpu.memory_space<vmem>>) offsets(%dma_start3A_71 : memref<128xi32, #tpu.memory_space<vmem>>) semaphore(%arg7 : memref<!tpu.dma_semaphore, #tpu.memory_space<semaphore_mem>>)
      %add3A_75 = arith.constant 5 : i32
      %add3A_76 = arith.addi %mul3A_10, %add3A_75 : i32
      %dma_start3A_77 = arith.constant 5 : i32
      %dma_start3A_78 = arith.constant 0 : i32
      %dma_start3A_79 = arith.constant 0 : i32
      %dma_start3A_80 = tpu.memref_slice %arg6[%dma_start3A_77, %dma_start3A_78, %dma_start3A_79] : memref<8x128x16xf32, #tpu.memory_space<vmem>> -> memref<1x128x16xf32, #tpu.memory_space<vmem>>
      %dma_start3A_81 = tpu.memref_squeeze %dma_start3A_80 : memref<1x128x16xf32, #tpu.memory_space<vmem>> -> memref<128x16xf32, #tpu.memory_space<vmem>>
      %dma_start3A_82 = arith.constant 0 : i32
      %dma_start3A_83 = tpu.memref_slice %arg5[%add3A_76, %dma_start3A_82] : memref<104x128xi32, #tpu.memory_space<vmem>> -> memref<1x128xi32, #tpu.memory_space<vmem>>
      %dma_start3A_84 = tpu.memref_squeeze %dma_start3A_83 : memref<1x128xi32, #tpu.memory_space<vmem>> -> memref<128xi32, #tpu.memory_space<vmem>>
      %dma_start3A_85 = arith.constant 0 : i32
      %dma_start3A_86 = arith.constant 0 : i32
      %dma_start3A_87 = tpu.memref_slice %arg2[%dma_start3A_85, %dma_start3A_86] : memref<2600000x16xf32, #tpu.memory_space<hbm>> -> memref<2600000x16xf32, #tpu.memory_space<hbm>>
      tpu.enqueue_indirect_dma source(%dma_start3A_87 : memref<2600000x16xf32, #tpu.memory_space<hbm>>) target(%dma_start3A_81 : memref<128x16xf32, #tpu.memory_space<vmem>>) offsets(%dma_start3A_84 : memref<128xi32, #tpu.memory_space<vmem>>) semaphore(%arg7 : memref<!tpu.dma_semaphore, #tpu.memory_space<semaphore_mem>>)
      %add3A_88 = arith.constant 6 : i32
      %add3A_89 = arith.addi %mul3A_10, %add3A_88 : i32
      %dma_start3A_90 = arith.constant 6 : i32
      %dma_start3A_91 = arith.constant 0 : i32
      %dma_start3A_92 = arith.constant 0 : i32
      %dma_start3A_93 = tpu.memref_slice %arg6[%dma_start3A_90, %dma_start3A_91, %dma_start3A_92] : memref<8x128x16xf32, #tpu.memory_space<vmem>> -> memref<1x128x16xf32, #tpu.memory_space<vmem>>
      %dma_start3A_94 = tpu.memref_squeeze %dma_start3A_93 : memref<1x128x16xf32, #tpu.memory_space<vmem>> -> memref<128x16xf32, #tpu.memory_space<vmem>>
      %dma_start3A_95 = arith.constant 0 : i32
      %dma_start3A_96 = tpu.memref_slice %arg5[%add3A_89, %dma_start3A_95] : memref<104x128xi32, #tpu.memory_space<vmem>> -> memref<1x128xi32, #tpu.memory_space<vmem>>
      %dma_start3A_97 = tpu.memref_squeeze %dma_start3A_96 : memref<1x128xi32, #tpu.memory_space<vmem>> -> memref<128xi32, #tpu.memory_space<vmem>>
      %dma_start3A_98 = arith.constant 0 : i32
      %dma_start3A_99 = arith.constant 0 : i32
      %dma_start3A_100 = tpu.memref_slice %arg2[%dma_start3A_98, %dma_start3A_99] : memref<2600000x16xf32, #tpu.memory_space<hbm>> -> memref<2600000x16xf32, #tpu.memory_space<hbm>>
      tpu.enqueue_indirect_dma source(%dma_start3A_100 : memref<2600000x16xf32, #tpu.memory_space<hbm>>) target(%dma_start3A_94 : memref<128x16xf32, #tpu.memory_space<vmem>>) offsets(%dma_start3A_97 : memref<128xi32, #tpu.memory_space<vmem>>) semaphore(%arg7 : memref<!tpu.dma_semaphore, #tpu.memory_space<semaphore_mem>>)
      %add3A_101 = arith.constant 7 : i32
      %add3A_102 = arith.addi %mul3A_10, %add3A_101 : i32
      %dma_start3A_103 = arith.constant 7 : i32
      %dma_start3A_104 = arith.constant 0 : i32
      %dma_start3A_105 = arith.constant 0 : i32
      %dma_start3A_106 = tpu.memref_slice %arg6[%dma_start3A_103, %dma_start3A_104, %dma_start3A_105] : memref<8x128x16xf32, #tpu.memory_space<vmem>> -> memref<1x128x16xf32, #tpu.memory_space<vmem>>
      %dma_start3A_107 = tpu.memref_squeeze %dma_start3A_106 : memref<1x128x16xf32, #tpu.memory_space<vmem>> -> memref<128x16xf32, #tpu.memory_space<vmem>>
      %dma_start3A_108 = arith.constant 0 : i32
      %dma_start3A_109 = tpu.memref_slice %arg5[%add3A_102, %dma_start3A_108] : memref<104x128xi32, #tpu.memory_space<vmem>> -> memref<1x128xi32, #tpu.memory_space<vmem>>
      %dma_start3A_110 = tpu.memref_squeeze %dma_start3A_109 : memref<1x128xi32, #tpu.memory_space<vmem>> -> memref<128xi32, #tpu.memory_space<vmem>>
      %dma_start3A_111 = arith.constant 0 : i32
      %dma_start3A_112 = arith.constant 0 : i32
      %dma_start3A_113 = tpu.memref_slice %arg2[%dma_start3A_111, %dma_start3A_112] : memref<2600000x16xf32, #tpu.memory_space<hbm>> -> memref<2600000x16xf32, #tpu.memory_space<hbm>>
      tpu.enqueue_indirect_dma source(%dma_start3A_113 : memref<2600000x16xf32, #tpu.memory_space<hbm>>) target(%dma_start3A_107 : memref<128x16xf32, #tpu.memory_space<vmem>>) offsets(%dma_start3A_110 : memref<128xi32, #tpu.memory_space<vmem>>) semaphore(%arg7 : memref<!tpu.dma_semaphore, #tpu.memory_space<semaphore_mem>>)
      %dma_wait3A = arith.constant 0 : i32
      %dma_wait3A_114 = arith.constant 0 : i32
      %dma_wait3A_115 = arith.constant 0 : i32
      %dma_wait3A_116 = tpu.memref_slice %arg6[%dma_wait3A, %dma_wait3A_114, %dma_wait3A_115] : memref<8x128x16xf32, #tpu.memory_space<vmem>> -> memref<1x128x16xf32, #tpu.memory_space<vmem>>
      %dma_wait3A_117 = tpu.memref_squeeze %dma_wait3A_116 : memref<1x128x16xf32, #tpu.memory_space<vmem>> -> memref<128x16xf32, #tpu.memory_space<vmem>>
      %dma_wait3A_118 = arith.constant 0 : i32
      %dma_wait3A_119 = tpu.memref_slice %arg5[%add3A_12, %dma_wait3A_118] : memref<104x128xi32, #tpu.memory_space<vmem>> -> memref<1x128xi32, #tpu.memory_space<vmem>>
      %dma_wait3A_120 = tpu.memref_squeeze %dma_wait3A_119 : memref<1x128xi32, #tpu.memory_space<vmem>> -> memref<128xi32, #tpu.memory_space<vmem>>
      %dma_wait3A_121 = arith.constant 0 : i32
      %dma_wait3A_122 = arith.constant 0 : i32
      %dma_wait3A_123 = tpu.memref_slice %arg2[%dma_wait3A_121, %dma_wait3A_122] : memref<2600000x16xf32, #tpu.memory_space<hbm>> -> memref<2600000x16xf32, #tpu.memory_space<hbm>>
      tpu.wait_indirect_dma semaphore(%arg7 : memref<!tpu.dma_semaphore, #tpu.memory_space<semaphore_mem>>) src(%dma_wait3A_123 : memref<2600000x16xf32, #tpu.memory_space<hbm>>) dst(%dma_wait3A_117 : memref<128x16xf32, #tpu.memory_space<vmem>>)
      %dma_wait3A_124 = arith.constant 1 : i32
      %dma_wait3A_125 = arith.constant 0 : i32
      %dma_wait3A_126 = arith.constant 0 : i32
      %dma_wait3A_127 = tpu.memref_slice %arg6[%dma_wait3A_124, %dma_wait3A_125, %dma_wait3A_126] : memref<8x128x16xf32, #tpu.memory_space<vmem>> -> memref<1x128x16xf32, #tpu.memory_space<vmem>>
      %dma_wait3A_128 = tpu.memref_squeeze %dma_wait3A_127 : memref<1x128x16xf32, #tpu.memory_space<vmem>> -> memref<128x16xf32, #tpu.memory_space<vmem>>
      %dma_wait3A_129 = arith.constant 0 : i32
      %dma_wait3A_130 = tpu.memref_slice %arg5[%add3A_24, %dma_wait3A_129] : memref<104x128xi32, #tpu.memory_space<vmem>> -> memref<1x128xi32, #tpu.memory_space<vmem>>
      %dma_wait3A_131 = tpu.memref_squeeze %dma_wait3A_130 : memref<1x128xi32, #tpu.memory_space<vmem>> -> memref<128xi32, #tpu.memory_space<vmem>>
      %dma_wait3A_132 = arith.constant 0 : i32
      %dma_wait3A_133 = arith.constant 0 : i32
      %dma_wait3A_134 = tpu.memref_slice %arg2[%dma_wait3A_132, %dma_wait3A_133] : memref<2600000x16xf32, #tpu.memory_space<hbm>> -> memref<2600000x16xf32, #tpu.memory_space<hbm>>
      tpu.wait_indirect_dma semaphore(%arg7 : memref<!tpu.dma_semaphore, #tpu.memory_space<semaphore_mem>>) src(%dma_wait3A_134 : memref<2600000x16xf32, #tpu.memory_space<hbm>>) dst(%dma_wait3A_128 : memref<128x16xf32, #tpu.memory_space<vmem>>)
      %dma_wait3A_135 = arith.constant 2 : i32
      %dma_wait3A_136 = arith.constant 0 : i32
      %dma_wait3A_137 = arith.constant 0 : i32
      %dma_wait3A_138 = tpu.memref_slice %arg6[%dma_wait3A_135, %dma_wait3A_136, %dma_wait3A_137] : memref<8x128x16xf32, #tpu.memory_space<vmem>> -> memref<1x128x16xf32, #tpu.memory_space<vmem>>
      %dma_wait3A_139 = tpu.memref_squeeze %dma_wait3A_138 : memref<1x128x16xf32, #tpu.memory_space<vmem>> -> memref<128x16xf32, #tpu.memory_space<vmem>>
      %dma_wait3A_140 = arith.constant 0 : i32
      %dma_wait3A_141 = tpu.memref_slice %arg5[%add3A_37, %dma_wait3A_140] : memref<104x128xi32, #tpu.memory_space<vmem>> -> memref<1x128xi32, #tpu.memory_space<vmem>>
      %dma_wait3A_142 = tpu.memref_squeeze %dma_wait3A_141 : memref<1x128xi32, #tpu.memory_space<vmem>> -> memref<128xi32, #tpu.memory_space<vmem>>
      %dma_wait3A_143 = arith.constant 0 : i32
      %dma_wait3A_144 = arith.constant 0 : i32
      %dma_wait3A_145 = tpu.memref_slice %arg2[%dma_wait3A_143, %dma_wait3A_144] : memref<2600000x16xf32, #tpu.memory_space<hbm>> -> memref<2600000x16xf32, #tpu.memory_space<hbm>>
      tpu.wait_indirect_dma semaphore(%arg7 : memref<!tpu.dma_semaphore, #tpu.memory_space<semaphore_mem>>) src(%dma_wait3A_145 : memref<2600000x16xf32, #tpu.memory_space<hbm>>) dst(%dma_wait3A_139 : memref<128x16xf32, #tpu.memory_space<vmem>>)
      %dma_wait3A_146 = arith.constant 3 : i32
      %dma_wait3A_147 = arith.constant 0 : i32
      %dma_wait3A_148 = arith.constant 0 : i32
      %dma_wait3A_149 = tpu.memref_slice %arg6[%dma_wait3A_146, %dma_wait3A_147, %dma_wait3A_148] : memref<8x128x16xf32, #tpu.memory_space<vmem>> -> memref<1x128x16xf32, #tpu.memory_space<vmem>>
      %dma_wait3A_150 = tpu.memref_squeeze %dma_wait3A_149 : memref<1x128x16xf32, #tpu.memory_space<vmem>> -> memref<128x16xf32, #tpu.memory_space<vmem>>
      %dma_wait3A_151 = arith.constant 0 : i32
      %dma_wait3A_152 = tpu.memref_slice %arg5[%add3A_50, %dma_wait3A_151] : memref<104x128xi32, #tpu.memory_space<vmem>> -> memref<1x128xi32, #tpu.memory_space<vmem>>
      %dma_wait3A_153 = tpu.memref_squeeze %dma_wait3A_152 : memref<1x128xi32, #tpu.memory_space<vmem>> -> memref<128xi32, #tpu.memory_space<vmem>>
      %dma_wait3A_154 = arith.constant 0 : i32
      %dma_wait3A_155 = arith.constant 0 : i32
      %dma_wait3A_156 = tpu.memref_slice %arg2[%dma_wait3A_154, %dma_wait3A_155] : memref<2600000x16xf32, #tpu.memory_space<hbm>> -> memref<2600000x16xf32, #tpu.memory_space<hbm>>
      tpu.wait_indirect_dma semaphore(%arg7 : memref<!tpu.dma_semaphore, #tpu.memory_space<semaphore_mem>>) src(%dma_wait3A_156 : memref<2600000x16xf32, #tpu.memory_space<hbm>>) dst(%dma_wait3A_150 : memref<128x16xf32, #tpu.memory_space<vmem>>)
      %dma_wait3A_157 = arith.constant 4 : i32
      %dma_wait3A_158 = arith.constant 0 : i32
      %dma_wait3A_159 = arith.constant 0 : i32
      %dma_wait3A_160 = tpu.memref_slice %arg6[%dma_wait3A_157, %dma_wait3A_158, %dma_wait3A_159] : memref<8x128x16xf32, #tpu.memory_space<vmem>> -> memref<1x128x16xf32, #tpu.memory_space<vmem>>
      %dma_wait3A_161 = tpu.memref_squeeze %dma_wait3A_160 : memref<1x128x16xf32, #tpu.memory_space<vmem>> -> memref<128x16xf32, #tpu.memory_space<vmem>>
      %dma_wait3A_162 = arith.constant 0 : i32
      %dma_wait3A_163 = tpu.memref_slice %arg5[%add3A_63, %dma_wait3A_162] : memref<104x128xi32, #tpu.memory_space<vmem>> -> memref<1x128xi32, #tpu.memory_space<vmem>>
      %dma_wait3A_164 = tpu.memref_squeeze %dma_wait3A_163 : memref<1x128xi32, #tpu.memory_space<vmem>> -> memref<128xi32, #tpu.memory_space<vmem>>
      %dma_wait3A_165 = arith.constant 0 : i32
      %dma_wait3A_166 = arith.constant 0 : i32
      %dma_wait3A_167 = tpu.memref_slice %arg2[%dma_wait3A_165, %dma_wait3A_166] : memref<2600000x16xf32, #tpu.memory_space<hbm>> -> memref<2600000x16xf32, #tpu.memory_space<hbm>>
      tpu.wait_indirect_dma semaphore(%arg7 : memref<!tpu.dma_semaphore, #tpu.memory_space<semaphore_mem>>) src(%dma_wait3A_167 : memref<2600000x16xf32, #tpu.memory_space<hbm>>) dst(%dma_wait3A_161 : memref<128x16xf32, #tpu.memory_space<vmem>>)
      %dma_wait3A_168 = arith.constant 5 : i32
      %dma_wait3A_169 = arith.constant 0 : i32
      %dma_wait3A_170 = arith.constant 0 : i32
      %dma_wait3A_171 = tpu.memref_slice %arg6[%dma_wait3A_168, %dma_wait3A_169, %dma_wait3A_170] : memref<8x128x16xf32, #tpu.memory_space<vmem>> -> memref<1x128x16xf32, #tpu.memory_space<vmem>>
      %dma_wait3A_172 = tpu.memref_squeeze %dma_wait3A_171 : memref<1x128x16xf32, #tpu.memory_space<vmem>> -> memref<128x16xf32, #tpu.memory_space<vmem>>
      %dma_wait3A_173 = arith.constant 0 : i32
      %dma_wait3A_174 = tpu.memref_slice %arg5[%add3A_76, %dma_wait3A_173] : memref<104x128xi32, #tpu.memory_space<vmem>> -> memref<1x128xi32, #tpu.memory_space<vmem>>
      %dma_wait3A_175 = tpu.memref_squeeze %dma_wait3A_174 : memref<1x128xi32, #tpu.memory_space<vmem>> -> memref<128xi32, #tpu.memory_space<vmem>>
      %dma_wait3A_176 = arith.constant 0 : i32
      %dma_wait3A_177 = arith.constant 0 : i32
      %dma_wait3A_178 = tpu.memref_slice %arg2[%dma_wait3A_176, %dma_wait3A_177] : memref<2600000x16xf32, #tpu.memory_space<hbm>> -> memref<2600000x16xf32, #tpu.memory_space<hbm>>
      tpu.wait_indirect_dma semaphore(%arg7 : memref<!tpu.dma_semaphore, #tpu.memory_space<semaphore_mem>>) src(%dma_wait3A_178 : memref<2600000x16xf32, #tpu.memory_space<hbm>>) dst(%dma_wait3A_172 : memref<128x16xf32, #tpu.memory_space<vmem>>)
      %dma_wait3A_179 = arith.constant 6 : i32
      %dma_wait3A_180 = arith.constant 0 : i32
      %dma_wait3A_181 = arith.constant 0 : i32
      %dma_wait3A_182 = tpu.memref_slice %arg6[%dma_wait3A_179, %dma_wait3A_180, %dma_wait3A_181] : memref<8x128x16xf32, #tpu.memory_space<vmem>> -> memref<1x128x16xf32, #tpu.memory_space<vmem>>
      %dma_wait3A_183 = tpu.memref_squeeze %dma_wait3A_182 : memref<1x128x16xf32, #tpu.memory_space<vmem>> -> memref<128x16xf32, #tpu.memory_space<vmem>>
      %dma_wait3A_184 = arith.constant 0 : i32
      %dma_wait3A_185 = tpu.memref_slice %arg5[%add3A_89, %dma_wait3A_184] : memref<104x128xi32, #tpu.memory_space<vmem>> -> memref<1x128xi32, #tpu.memory_space<vmem>>
      %dma_wait3A_186 = tpu.memref_squeeze %dma_wait3A_185 : memref<1x128xi32, #tpu.memory_space<vmem>> -> memref<128xi32, #tpu.memory_space<vmem>>
      %dma_wait3A_187 = arith.constant 0 : i32
      %dma_wait3A_188 = arith.constant 0 : i32
      %dma_wait3A_189 = tpu.memref_slice %arg2[%dma_wait3A_187, %dma_wait3A_188] : memref<2600000x16xf32, #tpu.memory_space<hbm>> -> memref<2600000x16xf32, #tpu.memory_space<hbm>>
      tpu.wait_indirect_dma semaphore(%arg7 : memref<!tpu.dma_semaphore, #tpu.memory_space<semaphore_mem>>) src(%dma_wait3A_189 : memref<2600000x16xf32, #tpu.memory_space<hbm>>) dst(%dma_wait3A_183 : memref<128x16xf32, #tpu.memory_space<vmem>>)
      %dma_wait3A_190 = arith.constant 7 : i32
      %dma_wait3A_191 = arith.constant 0 : i32
      %dma_wait3A_192 = arith.constant 0 : i32
      %dma_wait3A_193 = tpu.memref_slice %arg6[%dma_wait3A_190, %dma_wait3A_191, %dma_wait3A_192] : memref<8x128x16xf32, #tpu.memory_space<vmem>> -> memref<1x128x16xf32, #tpu.memory_space<vmem>>
      %dma_wait3A_194 = tpu.memref_squeeze %dma_wait3A_193 : memref<1x128x16xf32, #tpu.memory_space<vmem>> -> memref<128x16xf32, #tpu.memory_space<vmem>>
      %dma_wait3A_195 = arith.constant 0 : i32
      %dma_wait3A_196 = tpu.memref_slice %arg5[%add3A_102, %dma_wait3A_195] : memref<104x128xi32, #tpu.memory_space<vmem>> -> memref<1x128xi32, #tpu.memory_space<vmem>>
      %dma_wait3A_197 = tpu.memref_squeeze %dma_wait3A_196 : memref<1x128xi32, #tpu.memory_space<vmem>> -> memref<128xi32, #tpu.memory_space<vmem>>
      %dma_wait3A_198 = arith.constant 0 : i32
      %dma_wait3A_199 = arith.constant 0 : i32
      %dma_wait3A_200 = tpu.memref_slice %arg2[%dma_wait3A_198, %dma_wait3A_199] : memref<2600000x16xf32, #tpu.memory_space<hbm>> -> memref<2600000x16xf32, #tpu.memory_space<hbm>>
      tpu.wait_indirect_dma semaphore(%arg7 : memref<!tpu.dma_semaphore, #tpu.memory_space<semaphore_mem>>) src(%dma_wait3A_200 : memref<2600000x16xf32, #tpu.memory_space<hbm>>) dst(%dma_wait3A_194 : memref<128x16xf32, #tpu.memory_space<vmem>>)
      %add3A_201 = arith.constant 0 : i32
      %add3A_202 = arith.addi %mul3A_10, %add3A_201 : i32
      %mul3A_203 = arith.constant 128 : i32
      %mul3A_204 = arith.muli %add3A_202, %mul3A_203 : i32
      %add3A_205 = arith.addi %mul3A_2, %mul3A_204 : i32
      %multiple_of3A = tpu.assume_multiple %add3A_205, 8 : i32
      %run_scoped3A = arith.constant 0 : i32
      "tpu.region"() ({
        %run_scoped3A_255 = tpu.sem_alloc : memref<!tpu.dma_semaphore, #tpu.memory_space<semaphore_mem>>
        %dma_start3A_256 = arith.constant 0 : i32
        %dma_start3A_257 = arith.constant 0 : i32
        %dma_start3A_258 = tpu.memref_slice %arg6[%run_scoped3A, %dma_start3A_256, %dma_start3A_257] : memref<8x128x16xf32, #tpu.memory_space<vmem>> -> memref<1x128x16xf32, #tpu.memory_space<vmem>>
        %dma_start3A_259 = tpu.memref_squeeze %dma_start3A_258 : memref<1x128x16xf32, #tpu.memory_space<vmem>> -> memref<128x16xf32, #tpu.memory_space<vmem>>
        %dma_start3A_260 = arith.constant 0 : i32
        %dma_start3A_261 = tpu.memref_slice %arg4[%multiple_of3A, %dma_start3A_260] : memref<425984x16xf32, #tpu.memory_space<hbm>> -> memref<128x16xf32, #tpu.memory_space<hbm>>
        %dma_start3A_262 = arith.constant 0 : i32
        %dma_start3A_263 = tpu.memref_slice %arg4[%multiple_of3A, %dma_start3A_262] : memref<425984x16xf32, #tpu.memory_space<hbm>> -> memref<128x16xf32, #tpu.memory_space<hbm>>
        %dma_start3A_264 = arith.constant 0 : i32
        %dma_start3A_265 = arith.constant 0 : i32
        %dma_start3A_266 = tpu.memref_slice %arg6[%run_scoped3A, %dma_start3A_264, %dma_start3A_265] : memref<8x128x16xf32, #tpu.memory_space<vmem>> -> memref<1x128x16xf32, #tpu.memory_space<vmem>>
        %dma_start3A_267 = tpu.memref_squeeze %dma_start3A_266 : memref<1x128x16xf32, #tpu.memory_space<vmem>> -> memref<128x16xf32, #tpu.memory_space<vmem>>
        tpu.enqueue_dma source(%dma_start3A_267 : memref<128x16xf32, #tpu.memory_space<vmem>>) target(%dma_start3A_263 : memref<128x16xf32, #tpu.memory_space<hbm>>) target_semaphore(%run_scoped3A_255 : memref<!tpu.dma_semaphore, #tpu.memory_space<semaphore_mem>>)
        %dma_wait3A_268 = arith.constant 0 : i32
        %dma_wait3A_269 = arith.constant 0 : i32
        %dma_wait3A_270 = tpu.memref_slice %arg6[%run_scoped3A, %dma_wait3A_268, %dma_wait3A_269] : memref<8x128x16xf32, #tpu.memory_space<vmem>> -> memref<1x128x16xf32, #tpu.memory_space<vmem>>
        %dma_wait3A_271 = tpu.memref_squeeze %dma_wait3A_270 : memref<1x128x16xf32, #tpu.memory_space<vmem>> -> memref<128x16xf32, #tpu.memory_space<vmem>>
        %dma_wait3A_272 = arith.constant 0 : i32
        %dma_wait3A_273 = tpu.memref_slice %arg4[%multiple_of3A, %dma_wait3A_272] : memref<425984x16xf32, #tpu.memory_space<hbm>> -> memref<128x16xf32, #tpu.memory_space<hbm>>
        %dma_wait3A_274 = arith.constant 0 : i32
        %dma_wait3A_275 = tpu.memref_slice %arg4[%multiple_of3A, %dma_wait3A_274] : memref<425984x16xf32, #tpu.memory_space<hbm>> -> memref<128x16xf32, #tpu.memory_space<hbm>>
        %dma_wait3A_276 = arith.constant 0 : i32
        %dma_wait3A_277 = arith.constant 0 : i32
        %dma_wait3A_278 = tpu.memref_slice %arg6[%run_scoped3A, %dma_wait3A_276, %dma_wait3A_277] : memref<8x128x16xf32, #tpu.memory_space<vmem>> -> memref<1x128x16xf32, #tpu.memory_space<vmem>>
        %dma_wait3A_279 = tpu.memref_squeeze %dma_wait3A_278 : memref<1x128x16xf32, #tpu.memory_space<vmem>> -> memref<128x16xf32, #tpu.memory_space<vmem>>
        tpu.wait_dma2 semaphore(%run_scoped3A_255 : memref<!tpu.dma_semaphore, #tpu.memory_space<semaphore_mem>>) src(%dma_wait3A_279 : memref<128x16xf32, #tpu.memory_space<vmem>>) dst(%dma_wait3A_275 : memref<128x16xf32, #tpu.memory_space<hbm>>)
        tpu.yield
      }) : () -> ()
      %add3A_206 = arith.constant 1 : i32
      %add3A_207 = arith.addi %mul3A_10, %add3A_206 : i32
      %mul3A_208 = arith.constant 128 : i32
      %mul3A_209 = arith.muli %add3A_207, %mul3A_208 : i32
      %add3A_210 = arith.addi %mul3A_2, %mul3A_209 : i32
      %multiple_of3A_211 = tpu.assume_multiple %add3A_210, 8 : i32
      %run_scoped3A_212 = arith.constant 1 : i32
      "tpu.region"() ({
        %run_scoped3A_255 = tpu.sem_alloc : memref<!tpu.dma_semaphore, #tpu.memory_space<semaphore_mem>>
        %dma_start3A_256 = arith.constant 0 : i32
        %dma_start3A_257 = arith.constant 0 : i32
        %dma_start3A_258 = tpu.memref_slice %arg6[%run_scoped3A_212, %dma_start3A_256, %dma_start3A_257] : memref<8x128x16xf32, #tpu.memory_space<vmem>> -> memref<1x128x16xf32, #tpu.memory_space<vmem>>
        %dma_start3A_259 = tpu.memref_squeeze %dma_start3A_258 : memref<1x128x16xf32, #tpu.memory_space<vmem>> -> memref<128x16xf32, #tpu.memory_space<vmem>>
        %dma_start3A_260 = arith.constant 0 : i32
        %dma_start3A_261 = tpu.memref_slice %arg4[%multiple_of3A_211, %dma_start3A_260] : memref<425984x16xf32, #tpu.memory_space<hbm>> -> memref<128x16xf32, #tpu.memory_space<hbm>>
        %dma_start3A_262 = arith.constant 0 : i32
        %dma_start3A_263 = tpu.memref_slice %arg4[%multiple_of3A_211, %dma_start3A_262] : memref<425984x16xf32, #tpu.memory_space<hbm>> -> memref<128x16xf32, #tpu.memory_space<hbm>>
        %dma_start3A_264 = arith.constant 0 : i32
        %dma_start3A_265 = arith.constant 0 : i32
        %dma_start3A_266 = tpu.memref_slice %arg6[%run_scoped3A_212, %dma_start3A_264, %dma_start3A_265] : memref<8x128x16xf32, #tpu.memory_space<vmem>> -> memref<1x128x16xf32, #tpu.memory_space<vmem>>
        %dma_start3A_267 = tpu.memref_squeeze %dma_start3A_266 : memref<1x128x16xf32, #tpu.memory_space<vmem>> -> memref<128x16xf32, #tpu.memory_space<vmem>>
        tpu.enqueue_dma source(%dma_start3A_267 : memref<128x16xf32, #tpu.memory_space<vmem>>) target(%dma_start3A_263 : memref<128x16xf32, #tpu.memory_space<hbm>>) target_semaphore(%run_scoped3A_255 : memref<!tpu.dma_semaphore, #tpu.memory_space<semaphore_mem>>)
        %dma_wait3A_268 = arith.constant 0 : i32
        %dma_wait3A_269 = arith.constant 0 : i32
        %dma_wait3A_270 = tpu.memref_slice %arg6[%run_scoped3A_212, %dma_wait3A_268, %dma_wait3A_269] : memref<8x128x16xf32, #tpu.memory_space<vmem>> -> memref<1x128x16xf32, #tpu.memory_space<vmem>>
        %dma_wait3A_271 = tpu.memref_squeeze %dma_wait3A_270 : memref<1x128x16xf32, #tpu.memory_space<vmem>> -> memref<128x16xf32, #tpu.memory_space<vmem>>
        %dma_wait3A_272 = arith.constant 0 : i32
        %dma_wait3A_273 = tpu.memref_slice %arg4[%multiple_of3A_211, %dma_wait3A_272] : memref<425984x16xf32, #tpu.memory_space<hbm>> -> memref<128x16xf32, #tpu.memory_space<hbm>>
        %dma_wait3A_274 = arith.constant 0 : i32
        %dma_wait3A_275 = tpu.memref_slice %arg4[%multiple_of3A_211, %dma_wait3A_274] : memref<425984x16xf32, #tpu.memory_space<hbm>> -> memref<128x16xf32, #tpu.memory_space<hbm>>
        %dma_wait3A_276 = arith.constant 0 : i32
        %dma_wait3A_277 = arith.constant 0 : i32
        %dma_wait3A_278 = tpu.memref_slice %arg6[%run_scoped3A_212, %dma_wait3A_276, %dma_wait3A_277] : memref<8x128x16xf32, #tpu.memory_space<vmem>> -> memref<1x128x16xf32, #tpu.memory_space<vmem>>
        %dma_wait3A_279 = tpu.memref_squeeze %dma_wait3A_278 : memref<1x128x16xf32, #tpu.memory_space<vmem>> -> memref<128x16xf32, #tpu.memory_space<vmem>>
        tpu.wait_dma2 semaphore(%run_scoped3A_255 : memref<!tpu.dma_semaphore, #tpu.memory_space<semaphore_mem>>) src(%dma_wait3A_279 : memref<128x16xf32, #tpu.memory_space<vmem>>) dst(%dma_wait3A_275 : memref<128x16xf32, #tpu.memory_space<hbm>>)
        tpu.yield
      }) : () -> ()
      %add3A_213 = arith.constant 2 : i32
      %add3A_214 = arith.addi %mul3A_10, %add3A_213 : i32
      %mul3A_215 = arith.constant 128 : i32
      %mul3A_216 = arith.muli %add3A_214, %mul3A_215 : i32
      %add3A_217 = arith.addi %mul3A_2, %mul3A_216 : i32
      %multiple_of3A_218 = tpu.assume_multiple %add3A_217, 8 : i32
      %run_scoped3A_219 = arith.constant 2 : i32
      "tpu.region"() ({
        %run_scoped3A_255 = tpu.sem_alloc : memref<!tpu.dma_semaphore, #tpu.memory_space<semaphore_mem>>
        %dma_start3A_256 = arith.constant 0 : i32
        %dma_start3A_257 = arith.constant 0 : i32
        %dma_start3A_258 = tpu.memref_slice %arg6[%run_scoped3A_219, %dma_start3A_256, %dma_start3A_257] : memref<8x128x16xf32, #tpu.memory_space<vmem>> -> memref<1x128x16xf32, #tpu.memory_space<vmem>>
        %dma_start3A_259 = tpu.memref_squeeze %dma_start3A_258 : memref<1x128x16xf32, #tpu.memory_space<vmem>> -> memref<128x16xf32, #tpu.memory_space<vmem>>
        %dma_start3A_260 = arith.constant 0 : i32
        %dma_start3A_261 = tpu.memref_slice %arg4[%multiple_of3A_218, %dma_start3A_260] : memref<425984x16xf32, #tpu.memory_space<hbm>> -> memref<128x16xf32, #tpu.memory_space<hbm>>
        %dma_start3A_262 = arith.constant 0 : i32
        %dma_start3A_263 = tpu.memref_slice %arg4[%multiple_of3A_218, %dma_start3A_262] : memref<425984x16xf32, #tpu.memory_space<hbm>> -> memref<128x16xf32, #tpu.memory_space<hbm>>
        %dma_start3A_264 = arith.constant 0 : i32
        %dma_start3A_265 = arith.constant 0 : i32
        %dma_start3A_266 = tpu.memref_slice %arg6[%run_scoped3A_219, %dma_start3A_264, %dma_start3A_265] : memref<8x128x16xf32, #tpu.memory_space<vmem>> -> memref<1x128x16xf32, #tpu.memory_space<vmem>>
        %dma_start3A_267 = tpu.memref_squeeze %dma_start3A_266 : memref<1x128x16xf32, #tpu.memory_space<vmem>> -> memref<128x16xf32, #tpu.memory_space<vmem>>
        tpu.enqueue_dma source(%dma_start3A_267 : memref<128x16xf32, #tpu.memory_space<vmem>>) target(%dma_start3A_263 : memref<128x16xf32, #tpu.memory_space<hbm>>) target_semaphore(%run_scoped3A_255 : memref<!tpu.dma_semaphore, #tpu.memory_space<semaphore_mem>>)
        %dma_wait3A_268 = arith.constant 0 : i32
        %dma_wait3A_269 = arith.constant 0 : i32
        %dma_wait3A_270 = tpu.memref_slice %arg6[%run_scoped3A_219, %dma_wait3A_268, %dma_wait3A_269] : memref<8x128x16xf32, #tpu.memory_space<vmem>> -> memref<1x128x16xf32, #tpu.memory_space<vmem>>
        %dma_wait3A_271 = tpu.memref_squeeze %dma_wait3A_270 : memref<1x128x16xf32, #tpu.memory_space<vmem>> -> memref<128x16xf32, #tpu.memory_space<vmem>>
        %dma_wait3A_272 = arith.constant 0 : i32
        %dma_wait3A_273 = tpu.memref_slice %arg4[%multiple_of3A_218, %dma_wait3A_272] : memref<425984x16xf32, #tpu.memory_space<hbm>> -> memref<128x16xf32, #tpu.memory_space<hbm>>
        %dma_wait3A_274 = arith.constant 0 : i32
        %dma_wait3A_275 = tpu.memref_slice %arg4[%multiple_of3A_218, %dma_wait3A_274] : memref<425984x16xf32, #tpu.memory_space<hbm>> -> memref<128x16xf32, #tpu.memory_space<hbm>>
        %dma_wait3A_276 = arith.constant 0 : i32
        %dma_wait3A_277 = arith.constant 0 : i32
        %dma_wait3A_278 = tpu.memref_slice %arg6[%run_scoped3A_219, %dma_wait3A_276, %dma_wait3A_277] : memref<8x128x16xf32, #tpu.memory_space<vmem>> -> memref<1x128x16xf32, #tpu.memory_space<vmem>>
        %dma_wait3A_279 = tpu.memref_squeeze %dma_wait3A_278 : memref<1x128x16xf32, #tpu.memory_space<vmem>> -> memref<128x16xf32, #tpu.memory_space<vmem>>
        tpu.wait_dma2 semaphore(%run_scoped3A_255 : memref<!tpu.dma_semaphore, #tpu.memory_space<semaphore_mem>>) src(%dma_wait3A_279 : memref<128x16xf32, #tpu.memory_space<vmem>>) dst(%dma_wait3A_275 : memref<128x16xf32, #tpu.memory_space<hbm>>)
        tpu.yield
      }) : () -> ()
      %add3A_220 = arith.constant 3 : i32
      %add3A_221 = arith.addi %mul3A_10, %add3A_220 : i32
      %mul3A_222 = arith.constant 128 : i32
      %mul3A_223 = arith.muli %add3A_221, %mul3A_222 : i32
      %add3A_224 = arith.addi %mul3A_2, %mul3A_223 : i32
      %multiple_of3A_225 = tpu.assume_multiple %add3A_224, 8 : i32
      %run_scoped3A_226 = arith.constant 3 : i32
      "tpu.region"() ({
        %run_scoped3A_255 = tpu.sem_alloc : memref<!tpu.dma_semaphore, #tpu.memory_space<semaphore_mem>>
        %dma_start3A_256 = arith.constant 0 : i32
        %dma_start3A_257 = arith.constant 0 : i32
        %dma_start3A_258 = tpu.memref_slice %arg6[%run_scoped3A_226, %dma_start3A_256, %dma_start3A_257] : memref<8x128x16xf32, #tpu.memory_space<vmem>> -> memref<1x128x16xf32, #tpu.memory_space<vmem>>
        %dma_start3A_259 = tpu.memref_squeeze %dma_start3A_258 : memref<1x128x16xf32, #tpu.memory_space<vmem>> -> memref<128x16xf32, #tpu.memory_space<vmem>>
        %dma_start3A_260 = arith.constant 0 : i32
        %dma_start3A_261 = tpu.memref_slice %arg4[%multiple_of3A_225, %dma_start3A_260] : memref<425984x16xf32, #tpu.memory_space<hbm>> -> memref<128x16xf32, #tpu.memory_space<hbm>>
        %dma_start3A_262 = arith.constant 0 : i32
        %dma_start3A_263 = tpu.memref_slice %arg4[%multiple_of3A_225, %dma_start3A_262] : memref<425984x16xf32, #tpu.memory_space<hbm>> -> memref<128x16xf32, #tpu.memory_space<hbm>>
        %dma_start3A_264 = arith.constant 0 : i32
        %dma_start3A_265 = arith.constant 0 : i32
        %dma_start3A_266 = tpu.memref_slice %arg6[%run_scoped3A_226, %dma_start3A_264, %dma_start3A_265] : memref<8x128x16xf32, #tpu.memory_space<vmem>> -> memref<1x128x16xf32, #tpu.memory_space<vmem>>
        %dma_start3A_267 = tpu.memref_squeeze %dma_start3A_266 : memref<1x128x16xf32, #tpu.memory_space<vmem>> -> memref<128x16xf32, #tpu.memory_space<vmem>>
        tpu.enqueue_dma source(%dma_start3A_267 : memref<128x16xf32, #tpu.memory_space<vmem>>) target(%dma_start3A_263 : memref<128x16xf32, #tpu.memory_space<hbm>>) target_semaphore(%run_scoped3A_255 : memref<!tpu.dma_semaphore, #tpu.memory_space<semaphore_mem>>)
        %dma_wait3A_268 = arith.constant 0 : i32
        %dma_wait3A_269 = arith.constant 0 : i32
        %dma_wait3A_270 = tpu.memref_slice %arg6[%run_scoped3A_226, %dma_wait3A_268, %dma_wait3A_269] : memref<8x128x16xf32, #tpu.memory_space<vmem>> -> memref<1x128x16xf32, #tpu.memory_space<vmem>>
        %dma_wait3A_271 = tpu.memref_squeeze %dma_wait3A_270 : memref<1x128x16xf32, #tpu.memory_space<vmem>> -> memref<128x16xf32, #tpu.memory_space<vmem>>
        %dma_wait3A_272 = arith.constant 0 : i32
        %dma_wait3A_273 = tpu.memref_slice %arg4[%multiple_of3A_225, %dma_wait3A_272] : memref<425984x16xf32, #tpu.memory_space<hbm>> -> memref<128x16xf32, #tpu.memory_space<hbm>>
        %dma_wait3A_274 = arith.constant 0 : i32
        %dma_wait3A_275 = tpu.memref_slice %arg4[%multiple_of3A_225, %dma_wait3A_274] : memref<425984x16xf32, #tpu.memory_space<hbm>> -> memref<128x16xf32, #tpu.memory_space<hbm>>
        %dma_wait3A_276 = arith.constant 0 : i32
        %dma_wait3A_277 = arith.constant 0 : i32
        %dma_wait3A_278 = tpu.memref_slice %arg6[%run_scoped3A_226, %dma_wait3A_276, %dma_wait3A_277] : memref<8x128x16xf32, #tpu.memory_space<vmem>> -> memref<1x128x16xf32, #tpu.memory_space<vmem>>
        %dma_wait3A_279 = tpu.memref_squeeze %dma_wait3A_278 : memref<1x128x16xf32, #tpu.memory_space<vmem>> -> memref<128x16xf32, #tpu.memory_space<vmem>>
        tpu.wait_dma2 semaphore(%run_scoped3A_255 : memref<!tpu.dma_semaphore, #tpu.memory_space<semaphore_mem>>) src(%dma_wait3A_279 : memref<128x16xf32, #tpu.memory_space<vmem>>) dst(%dma_wait3A_275 : memref<128x16xf32, #tpu.memory_space<hbm>>)
        tpu.yield
      }) : () -> ()
      %add3A_227 = arith.constant 4 : i32
      %add3A_228 = arith.addi %mul3A_10, %add3A_227 : i32
      %mul3A_229 = arith.constant 128 : i32
      %mul3A_230 = arith.muli %add3A_228, %mul3A_229 : i32
      %add3A_231 = arith.addi %mul3A_2, %mul3A_230 : i32
      %multiple_of3A_232 = tpu.assume_multiple %add3A_231, 8 : i32
      %run_scoped3A_233 = arith.constant 4 : i32
      "tpu.region"() ({
        %run_scoped3A_255 = tpu.sem_alloc : memref<!tpu.dma_semaphore, #tpu.memory_space<semaphore_mem>>
        %dma_start3A_256 = arith.constant 0 : i32
        %dma_start3A_257 = arith.constant 0 : i32
        %dma_start3A_258 = tpu.memref_slice %arg6[%run_scoped3A_233, %dma_start3A_256, %dma_start3A_257] : memref<8x128x16xf32, #tpu.memory_space<vmem>> -> memref<1x128x16xf32, #tpu.memory_space<vmem>>
        %dma_start3A_259 = tpu.memref_squeeze %dma_start3A_258 : memref<1x128x16xf32, #tpu.memory_space<vmem>> -> memref<128x16xf32, #tpu.memory_space<vmem>>
        %dma_start3A_260 = arith.constant 0 : i32
        %dma_start3A_261 = tpu.memref_slice %arg4[%multiple_of3A_232, %dma_start3A_260] : memref<425984x16xf32, #tpu.memory_space<hbm>> -> memref<128x16xf32, #tpu.memory_space<hbm>>
        %dma_start3A_262 = arith.constant 0 : i32
        %dma_start3A_263 = tpu.memref_slice %arg4[%multiple_of3A_232, %dma_start3A_262] : memref<425984x16xf32, #tpu.memory_space<hbm>> -> memref<128x16xf32, #tpu.memory_space<hbm>>
        %dma_start3A_264 = arith.constant 0 : i32
        %dma_start3A_265 = arith.constant 0 : i32
        %dma_start3A_266 = tpu.memref_slice %arg6[%run_scoped3A_233, %dma_start3A_264, %dma_start3A_265] : memref<8x128x16xf32, #tpu.memory_space<vmem>> -> memref<1x128x16xf32, #tpu.memory_space<vmem>>
        %dma_start3A_267 = tpu.memref_squeeze %dma_start3A_266 : memref<1x128x16xf32, #tpu.memory_space<vmem>> -> memref<128x16xf32, #tpu.memory_space<vmem>>
        tpu.enqueue_dma source(%dma_start3A_267 : memref<128x16xf32, #tpu.memory_space<vmem>>) target(%dma_start3A_263 : memref<128x16xf32, #tpu.memory_space<hbm>>) target_semaphore(%run_scoped3A_255 : memref<!tpu.dma_semaphore, #tpu.memory_space<semaphore_mem>>)
        %dma_wait3A_268 = arith.constant 0 : i32
        %dma_wait3A_269 = arith.constant 0 : i32
        %dma_wait3A_270 = tpu.memref_slice %arg6[%run_scoped3A_233, %dma_wait3A_268, %dma_wait3A_269] : memref<8x128x16xf32, #tpu.memory_space<vmem>> -> memref<1x128x16xf32, #tpu.memory_space<vmem>>
        %dma_wait3A_271 = tpu.memref_squeeze %dma_wait3A_270 : memref<1x128x16xf32, #tpu.memory_space<vmem>> -> memref<128x16xf32, #tpu.memory_space<vmem>>
        %dma_wait3A_272 = arith.constant 0 : i32
        %dma_wait3A_273 = tpu.memref_slice %arg4[%multiple_of3A_232, %dma_wait3A_272] : memref<425984x16xf32, #tpu.memory_space<hbm>> -> memref<128x16xf32, #tpu.memory_space<hbm>>
        %dma_wait3A_274 = arith.constant 0 : i32
        %dma_wait3A_275 = tpu.memref_slice %arg4[%multiple_of3A_232, %dma_wait3A_274] : memref<425984x16xf32, #tpu.memory_space<hbm>> -> memref<128x16xf32, #tpu.memory_space<hbm>>
        %dma_wait3A_276 = arith.constant 0 : i32
        %dma_wait3A_277 = arith.constant 0 : i32
        %dma_wait3A_278 = tpu.memref_slice %arg6[%run_scoped3A_233, %dma_wait3A_276, %dma_wait3A_277] : memref<8x128x16xf32, #tpu.memory_space<vmem>> -> memref<1x128x16xf32, #tpu.memory_space<vmem>>
        %dma_wait3A_279 = tpu.memref_squeeze %dma_wait3A_278 : memref<1x128x16xf32, #tpu.memory_space<vmem>> -> memref<128x16xf32, #tpu.memory_space<vmem>>
        tpu.wait_dma2 semaphore(%run_scoped3A_255 : memref<!tpu.dma_semaphore, #tpu.memory_space<semaphore_mem>>) src(%dma_wait3A_279 : memref<128x16xf32, #tpu.memory_space<vmem>>) dst(%dma_wait3A_275 : memref<128x16xf32, #tpu.memory_space<hbm>>)
        tpu.yield
      }) : () -> ()
      %add3A_234 = arith.constant 5 : i32
      %add3A_235 = arith.addi %mul3A_10, %add3A_234 : i32
      %mul3A_236 = arith.constant 128 : i32
      %mul3A_237 = arith.muli %add3A_235, %mul3A_236 : i32
      %add3A_238 = arith.addi %mul3A_2, %mul3A_237 : i32
      %multiple_of3A_239 = tpu.assume_multiple %add3A_238, 8 : i32
      %run_scoped3A_240 = arith.constant 5 : i32
      "tpu.region"() ({
        %run_scoped3A_255 = tpu.sem_alloc : memref<!tpu.dma_semaphore, #tpu.memory_space<semaphore_mem>>
        %dma_start3A_256 = arith.constant 0 : i32
        %dma_start3A_257 = arith.constant 0 : i32
        %dma_start3A_258 = tpu.memref_slice %arg6[%run_scoped3A_240, %dma_start3A_256, %dma_start3A_257] : memref<8x128x16xf32, #tpu.memory_space<vmem>> -> memref<1x128x16xf32, #tpu.memory_space<vmem>>
        %dma_start3A_259 = tpu.memref_squeeze %dma_start3A_258 : memref<1x128x16xf32, #tpu.memory_space<vmem>> -> memref<128x16xf32, #tpu.memory_space<vmem>>
        %dma_start3A_260 = arith.constant 0 : i32
        %dma_start3A_261 = tpu.memref_slice %arg4[%multiple_of3A_239, %dma_start3A_260] : memref<425984x16xf32, #tpu.memory_space<hbm>> -> memref<128x16xf32, #tpu.memory_space<hbm>>
        %dma_start3A_262 = arith.constant 0 : i32
        %dma_start3A_263 = tpu.memref_slice %arg4[%multiple_of3A_239, %dma_start3A_262] : memref<425984x16xf32, #tpu.memory_space<hbm>> -> memref<128x16xf32, #tpu.memory_space<hbm>>
        %dma_start3A_264 = arith.constant 0 : i32
        %dma_start3A_265 = arith.constant 0 : i32
        %dma_start3A_266 = tpu.memref_slice %arg6[%run_scoped3A_240, %dma_start3A_264, %dma_start3A_265] : memref<8x128x16xf32, #tpu.memory_space<vmem>> -> memref<1x128x16xf32, #tpu.memory_space<vmem>>
        %dma_start3A_267 = tpu.memref_squeeze %dma_start3A_266 : memref<1x128x16xf32, #tpu.memory_space<vmem>> -> memref<128x16xf32, #tpu.memory_space<vmem>>
        tpu.enqueue_dma source(%dma_start3A_267 : memref<128x16xf32, #tpu.memory_space<vmem>>) target(%dma_start3A_263 : memref<128x16xf32, #tpu.memory_space<hbm>>) target_semaphore(%run_scoped3A_255 : memref<!tpu.dma_semaphore, #tpu.memory_space<semaphore_mem>>)
        %dma_wait3A_268 = arith.constant 0 : i32
        %dma_wait3A_269 = arith.constant 0 : i32
        %dma_wait3A_270 = tpu.memref_slice %arg6[%run_scoped3A_240, %dma_wait3A_268, %dma_wait3A_269] : memref<8x128x16xf32, #tpu.memory_space<vmem>> -> memref<1x128x16xf32, #tpu.memory_space<vmem>>
        %dma_wait3A_271 = tpu.memref_squeeze %dma_wait3A_270 : memref<1x128x16xf32, #tpu.memory_space<vmem>> -> memref<128x16xf32, #tpu.memory_space<vmem>>
        %dma_wait3A_272 = arith.constant 0 : i32
        %dma_wait3A_273 = tpu.memref_slice %arg4[%multiple_of3A_239, %dma_wait3A_272] : memref<425984x16xf32, #tpu.memory_space<hbm>> -> memref<128x16xf32, #tpu.memory_space<hbm>>
        %dma_wait3A_274 = arith.constant 0 : i32
        %dma_wait3A_275 = tpu.memref_slice %arg4[%multiple_of3A_239, %dma_wait3A_274] : memref<425984x16xf32, #tpu.memory_space<hbm>> -> memref<128x16xf32, #tpu.memory_space<hbm>>
        %dma_wait3A_276 = arith.constant 0 : i32
        %dma_wait3A_277 = arith.constant 0 : i32
        %dma_wait3A_278 = tpu.memref_slice %arg6[%run_scoped3A_240, %dma_wait3A_276, %dma_wait3A_277] : memref<8x128x16xf32, #tpu.memory_space<vmem>> -> memref<1x128x16xf32, #tpu.memory_space<vmem>>
        %dma_wait3A_279 = tpu.memref_squeeze %dma_wait3A_278 : memref<1x128x16xf32, #tpu.memory_space<vmem>> -> memref<128x16xf32, #tpu.memory_space<vmem>>
        tpu.wait_dma2 semaphore(%run_scoped3A_255 : memref<!tpu.dma_semaphore, #tpu.memory_space<semaphore_mem>>) src(%dma_wait3A_279 : memref<128x16xf32, #tpu.memory_space<vmem>>) dst(%dma_wait3A_275 : memref<128x16xf32, #tpu.memory_space<hbm>>)
        tpu.yield
      }) : () -> ()
      %add3A_241 = arith.constant 6 : i32
      %add3A_242 = arith.addi %mul3A_10, %add3A_241 : i32
      %mul3A_243 = arith.constant 128 : i32
      %mul3A_244 = arith.muli %add3A_242, %mul3A_243 : i32
      %add3A_245 = arith.addi %mul3A_2, %mul3A_244 : i32
      %multiple_of3A_246 = tpu.assume_multiple %add3A_245, 8 : i32
      %run_scoped3A_247 = arith.constant 6 : i32
      "tpu.region"() ({
        %run_scoped3A_255 = tpu.sem_alloc : memref<!tpu.dma_semaphore, #tpu.memory_space<semaphore_mem>>
        %dma_start3A_256 = arith.constant 0 : i32
        %dma_start3A_257 = arith.constant 0 : i32
        %dma_start3A_258 = tpu.memref_slice %arg6[%run_scoped3A_247, %dma_start3A_256, %dma_start3A_257] : memref<8x128x16xf32, #tpu.memory_space<vmem>> -> memref<1x128x16xf32, #tpu.memory_space<vmem>>
        %dma_start3A_259 = tpu.memref_squeeze %dma_start3A_258 : memref<1x128x16xf32, #tpu.memory_space<vmem>> -> memref<128x16xf32, #tpu.memory_space<vmem>>
        %dma_start3A_260 = arith.constant 0 : i32
        %dma_start3A_261 = tpu.memref_slice %arg4[%multiple_of3A_246, %dma_start3A_260] : memref<425984x16xf32, #tpu.memory_space<hbm>> -> memref<128x16xf32, #tpu.memory_space<hbm>>
        %dma_start3A_262 = arith.constant 0 : i32
        %dma_start3A_263 = tpu.memref_slice %arg4[%multiple_of3A_246, %dma_start3A_262] : memref<425984x16xf32, #tpu.memory_space<hbm>> -> memref<128x16xf32, #tpu.memory_space<hbm>>
        %dma_start3A_264 = arith.constant 0 : i32
        %dma_start3A_265 = arith.constant 0 : i32
        %dma_start3A_266 = tpu.memref_slice %arg6[%run_scoped3A_247, %dma_start3A_264, %dma_start3A_265] : memref<8x128x16xf32, #tpu.memory_space<vmem>> -> memref<1x128x16xf32, #tpu.memory_space<vmem>>
        %dma_start3A_267 = tpu.memref_squeeze %dma_start3A_266 : memref<1x128x16xf32, #tpu.memory_space<vmem>> -> memref<128x16xf32, #tpu.memory_space<vmem>>
        tpu.enqueue_dma source(%dma_start3A_267 : memref<128x16xf32, #tpu.memory_space<vmem>>) target(%dma_start3A_263 : memref<128x16xf32, #tpu.memory_space<hbm>>) target_semaphore(%run_scoped3A_255 : memref<!tpu.dma_semaphore, #tpu.memory_space<semaphore_mem>>)
        %dma_wait3A_268 = arith.constant 0 : i32
        %dma_wait3A_269 = arith.constant 0 : i32
        %dma_wait3A_270 = tpu.memref_slice %arg6[%run_scoped3A_247, %dma_wait3A_268, %dma_wait3A_269] : memref<8x128x16xf32, #tpu.memory_space<vmem>> -> memref<1x128x16xf32, #tpu.memory_space<vmem>>
        %dma_wait3A_271 = tpu.memref_squeeze %dma_wait3A_270 : memref<1x128x16xf32, #tpu.memory_space<vmem>> -> memref<128x16xf32, #tpu.memory_space<vmem>>
        %dma_wait3A_272 = arith.constant 0 : i32
        %dma_wait3A_273 = tpu.memref_slice %arg4[%multiple_of3A_246, %dma_wait3A_272] : memref<425984x16xf32, #tpu.memory_space<hbm>> -> memref<128x16xf32, #tpu.memory_space<hbm>>
        %dma_wait3A_274 = arith.constant 0 : i32
        %dma_wait3A_275 = tpu.memref_slice %arg4[%multiple_of3A_246, %dma_wait3A_274] : memref<425984x16xf32, #tpu.memory_space<hbm>> -> memref<128x16xf32, #tpu.memory_space<hbm>>
        %dma_wait3A_276 = arith.constant 0 : i32
        %dma_wait3A_277 = arith.constant 0 : i32
        %dma_wait3A_278 = tpu.memref_slice %arg6[%run_scoped3A_247, %dma_wait3A_276, %dma_wait3A_277] : memref<8x128x16xf32, #tpu.memory_space<vmem>> -> memref<1x128x16xf32, #tpu.memory_space<vmem>>
        %dma_wait3A_279 = tpu.memref_squeeze %dma_wait3A_278 : memref<1x128x16xf32, #tpu.memory_space<vmem>> -> memref<128x16xf32, #tpu.memory_space<vmem>>
        tpu.wait_dma2 semaphore(%run_scoped3A_255 : memref<!tpu.dma_semaphore, #tpu.memory_space<semaphore_mem>>) src(%dma_wait3A_279 : memref<128x16xf32, #tpu.memory_space<vmem>>) dst(%dma_wait3A_275 : memref<128x16xf32, #tpu.memory_space<hbm>>)
        tpu.yield
      }) : () -> ()
      %add3A_248 = arith.constant 7 : i32
      %add3A_249 = arith.addi %mul3A_10, %add3A_248 : i32
      %mul3A_250 = arith.constant 128 : i32
      %mul3A_251 = arith.muli %add3A_249, %mul3A_250 : i32
      %add3A_252 = arith.addi %mul3A_2, %mul3A_251 : i32
      %multiple_of3A_253 = tpu.assume_multiple %add3A_252, 8 : i32
      %run_scoped3A_254 = arith.constant 7 : i32
      "tpu.region"() ({
        %run_scoped3A_255 = tpu.sem_alloc : memref<!tpu.dma_semaphore, #tpu.memory_space<semaphore_mem>>
        %dma_start3A_256 = arith.constant 0 : i32
        %dma_start3A_257 = arith.constant 0 : i32
        %dma_start3A_258 = tpu.memref_slice %arg6[%run_scoped3A_254, %dma_start3A_256, %dma_start3A_257] : memref<8x128x16xf32, #tpu.memory_space<vmem>> -> memref<1x128x16xf32, #tpu.memory_space<vmem>>
        %dma_start3A_259 = tpu.memref_squeeze %dma_start3A_258 : memref<1x128x16xf32, #tpu.memory_space<vmem>> -> memref<128x16xf32, #tpu.memory_space<vmem>>
        %dma_start3A_260 = arith.constant 0 : i32
        %dma_start3A_261 = tpu.memref_slice %arg4[%multiple_of3A_253, %dma_start3A_260] : memref<425984x16xf32, #tpu.memory_space<hbm>> -> memref<128x16xf32, #tpu.memory_space<hbm>>
        %dma_start3A_262 = arith.constant 0 : i32
        %dma_start3A_263 = tpu.memref_slice %arg4[%multiple_of3A_253, %dma_start3A_262] : memref<425984x16xf32, #tpu.memory_space<hbm>> -> memref<128x16xf32, #tpu.memory_space<hbm>>
        %dma_start3A_264 = arith.constant 0 : i32
        %dma_start3A_265 = arith.constant 0 : i32
        %dma_start3A_266 = tpu.memref_slice %arg6[%run_scoped3A_254, %dma_start3A_264, %dma_start3A_265] : memref<8x128x16xf32, #tpu.memory_space<vmem>> -> memref<1x128x16xf32, #tpu.memory_space<vmem>>
        %dma_start3A_267 = tpu.memref_squeeze %dma_start3A_266 : memref<1x128x16xf32, #tpu.memory_space<vmem>> -> memref<128x16xf32, #tpu.memory_space<vmem>>
        tpu.enqueue_dma source(%dma_start3A_267 : memref<128x16xf32, #tpu.memory_space<vmem>>) target(%dma_start3A_263 : memref<128x16xf32, #tpu.memory_space<hbm>>) target_semaphore(%run_scoped3A_255 : memref<!tpu.dma_semaphore, #tpu.memory_space<semaphore_mem>>)
        %dma_wait3A_268 = arith.constant 0 : i32
        %dma_wait3A_269 = arith.constant 0 : i32
        %dma_wait3A_270 = tpu.memref_slice %arg6[%run_scoped3A_254, %dma_wait3A_268, %dma_wait3A_269] : memref<8x128x16xf32, #tpu.memory_space<vmem>> -> memref<1x128x16xf32, #tpu.memory_space<vmem>>
        %dma_wait3A_271 = tpu.memref_squeeze %dma_wait3A_270 : memref<1x128x16xf32, #tpu.memory_space<vmem>> -> memref<128x16xf32, #tpu.memory_space<vmem>>
        %dma_wait3A_272 = arith.constant 0 : i32
        %dma_wait3A_273 = tpu.memref_slice %arg4[%multiple_of3A_253, %dma_wait3A_272] : memref<425984x16xf32, #tpu.memory_space<hbm>> -> memref<128x16xf32, #tpu.memory_space<hbm>>
        %dma_wait3A_274 = arith.constant 0 : i32
        %dma_wait3A_275 = tpu.memref_slice %arg4[%multiple_of3A_253, %dma_wait3A_274] : memref<425984x16xf32, #tpu.memory_space<hbm>> -> memref<128x16xf32, #tpu.memory_space<hbm>>
        %dma_wait3A_276 = arith.constant 0 : i32
        %dma_wait3A_277 = arith.constant 0 : i32
        %dma_wait3A_278 = tpu.memref_slice %arg6[%run_scoped3A_254, %dma_wait3A_276, %dma_wait3A_277] : memref<8x128x16xf32, #tpu.memory_space<vmem>> -> memref<1x128x16xf32, #tpu.memory_space<vmem>>
        %dma_wait3A_279 = tpu.memref_squeeze %dma_wait3A_278 : memref<1x128x16xf32, #tpu.memory_space<vmem>> -> memref<128x16xf32, #tpu.memory_space<vmem>>
        tpu.wait_dma2 semaphore(%run_scoped3A_255 : memref<!tpu.dma_semaphore, #tpu.memory_space<semaphore_mem>>) src(%dma_wait3A_279 : memref<128x16xf32, #tpu.memory_space<vmem>>) dst(%dma_wait3A_275 : memref<128x16xf32, #tpu.memory_space<hbm>>)
        tpu.yield
      }) : () -> ()
    }
    %scan3A_7 = arith.constant 13 : i32
    return
  }
}

module attributes {stable_mosaic.version = 14 : i64} {
  func.func @_dense_body(%arg0: i32, %arg1: memref<26x64x128xf32, #tpu.memory_space<vmem>>, %arg2: memref<1x512xf32, #tpu.memory_space<vmem>>, %arg3: memref<16x1xf32, #tpu.memory_space<vmem>>, %arg4: memref<16x1xf32, #tpu.memory_space<vmem>>, %arg5: memref<64x16xf32, #tpu.memory_space<vmem>>, %arg6: memref<64x1xf32, #tpu.memory_space<vmem>>, %arg7: memref<32x64xf32, #tpu.memory_space<vmem>>, %arg8: memref<32x1xf32, #tpu.memory_space<vmem>>, %arg9: memref<32x351xf32, #tpu.memory_space<vmem>>, %arg10: memref<32x32xf32, #tpu.memory_space<vmem>>, %arg11: memref<32x1xf32, #tpu.memory_space<vmem>>, %arg12: memref<1x32xf32, #tpu.memory_space<vmem>>, %arg13: memref<1x1xf32, #tpu.memory_space<vmem>>, %arg14: memref<1x512xf32, #tpu.memory_space<vmem>>, %arg15: memref<27x16x512xf32, #tpu.memory_space<vmem>>, %arg16: memref<351x512xf32, #tpu.memory_space<vmem>>) attributes {dimension_semantics = [#tpu.dimension_semantics<arbitrary>], iteration_bounds = array<i64: 32>, scalar_prefetch = 0 : i64, scratch_operands = 2 : i64, tpu.core_type = #tpu.core_type<tc>, window_params = [{transform_indices = @transform_0, window_bounds = array<i64: 26, 64, 128>}, {transform_indices = @transform_1, window_bounds = array<i64: 1, 512>}, {pipeline_mode = #tpu.pipeline_mode<synchronous>, transform_indices = @transform_2, window_bounds = array<i64: 16, 1>}, {pipeline_mode = #tpu.pipeline_mode<synchronous>, transform_indices = @transform_3, window_bounds = array<i64: 16, 1>}, {pipeline_mode = #tpu.pipeline_mode<synchronous>, transform_indices = @transform_4, window_bounds = array<i64: 64, 16>}, {pipeline_mode = #tpu.pipeline_mode<synchronous>, transform_indices = @transform_5, window_bounds = array<i64: 64, 1>}, {pipeline_mode = #tpu.pipeline_mode<synchronous>, transform_indices = @transform_6, window_bounds = array<i64: 32, 64>}, {pipeline_mode = #tpu.pipeline_mode<synchronous>, transform_indices = @transform_7, window_bounds = array<i64: 32, 1>}, {pipeline_mode = #tpu.pipeline_mode<synchronous>, transform_indices = @transform_8, window_bounds = array<i64: 32, 351>}, {pipeline_mode = #tpu.pipeline_mode<synchronous>, transform_indices = @transform_9, window_bounds = array<i64: 32, 32>}, {pipeline_mode = #tpu.pipeline_mode<synchronous>, transform_indices = @transform_10, window_bounds = array<i64: 32, 1>}, {pipeline_mode = #tpu.pipeline_mode<synchronous>, transform_indices = @transform_11, window_bounds = array<i64: 1, 32>}, {pipeline_mode = #tpu.pipeline_mode<synchronous>, transform_indices = @transform_12, window_bounds = array<i64: 1, 1>}, {transform_indices = @transform_13, window_bounds = array<i64: 1, 512>}]} {
    %get3A = arith.constant 0 : index
    %get3A_0 = arith.constant 0 : index
    %get3A_1 = vector.load %arg3[%get3A, %get3A_0] : memref<16x1xf32, #tpu.memory_space<vmem>>, vector<16x1xf32>
    %get3A_2 = arith.constant 0 : index
    %get3A_3 = arith.constant 0 : index
    %get3A_4 = vector.load %arg2[%get3A_2, %get3A_3] : memref<1x512xf32, #tpu.memory_space<vmem>>, vector<1x512xf32>
    %mul3A = vector.broadcast %get3A_1 : vector<16x1xf32> to vector<16x512xf32>
    %mul3A_5 = vector.broadcast %get3A_4 : vector<1x512xf32> to vector<16x512xf32>
    %mul3A_6 = arith.mulf %mul3A, %mul3A_5 : vector<16x512xf32>
    %get3A_7 = arith.constant 0 : index
    %get3A_8 = arith.constant 0 : index
    %get3A_9 = vector.load %arg4[%get3A_7, %get3A_8] : memref<16x1xf32, #tpu.memory_space<vmem>>, vector<16x1xf32>
    %add3A = vector.broadcast %get3A_9 : vector<16x1xf32> to vector<16x512xf32>
    %add3A_10 = arith.addf %mul3A_6, %add3A : vector<16x512xf32>
    %get3A_11 = arith.constant 0 : index
    %get3A_12 = arith.constant 0 : index
    %get3A_13 = arith.constant 0 : index
    %get3A_14 = vector.load %arg1[%get3A_11, %get3A_12, %get3A_13] : memref<26x64x128xf32, #tpu.memory_space<vmem>>, vector<1x16x128xf32>
    %get3A_15 = vector.shape_cast %get3A_14 : vector<1x16x128xf32> to vector<16x128xf32>
    %concatenate3A = tpu.concatenate %get3A_15, %get3A_15, %get3A_15, %get3A_15 in 1 : vector<16x128xf32>, vector<16x128xf32>, vector<16x128xf32>, vector<16x128xf32> -> vector<16x512xf32>
    %swap3A = arith.constant 0 : index
    %swap3A_16 = arith.constant 0 : index
    %swap3A_17 = arith.constant 0 : index
    %swap3A_18 = vector.load %arg15[%swap3A, %swap3A_16, %swap3A_17] : memref<27x16x512xf32, #tpu.memory_space<vmem>>, vector<1x16x512xf32>
    %swap3A_19 = vector.shape_cast %swap3A_18 : vector<1x16x512xf32> to vector<16x512xf32>
    %swap3A_20 = vector.shape_cast %concatenate3A : vector<16x512xf32> to vector<1x16x512xf32>
    tpu.vector_store %arg15[%swap3A, %swap3A_16, %swap3A_17], %swap3A_20 {strides = array<i32>} : memref<27x16x512xf32, #tpu.memory_space<vmem>>, vector<1x16x512xf32>,
    %get3A_21 = arith.constant 1 : index
    %get3A_22 = arith.constant 0 : index
    %get3A_23 = arith.constant 0 : index
    %get3A_24 = vector.load %arg1[%get3A_21, %get3A_22, %get3A_23] : memref<26x64x128xf32, #tpu.memory_space<vmem>>, vector<1x16x128xf32>
    %get3A_25 = vector.shape_cast %get3A_24 : vector<1x16x128xf32> to vector<16x128xf32>
    %concatenate3A_26 = tpu.concatenate %get3A_25, %get3A_25, %get3A_25, %get3A_25 in 1 : vector<16x128xf32>, vector<16x128xf32>, vector<16x128xf32>, vector<16x128xf32> -> vector<16x512xf32>
    %swap3A_27 = arith.constant 1 : index
    %swap3A_28 = arith.constant 0 : index
    %swap3A_29 = arith.constant 0 : index
    %swap3A_30 = vector.load %arg15[%swap3A_27, %swap3A_28, %swap3A_29] : memref<27x16x512xf32, #tpu.memory_space<vmem>>, vector<1x16x512xf32>
    %swap3A_31 = vector.shape_cast %swap3A_30 : vector<1x16x512xf32> to vector<16x512xf32>
    %swap3A_32 = vector.shape_cast %concatenate3A_26 : vector<16x512xf32> to vector<1x16x512xf32>
    tpu.vector_store %arg15[%swap3A_27, %swap3A_28, %swap3A_29], %swap3A_32 {strides = array<i32>} : memref<27x16x512xf32, #tpu.memory_space<vmem>>, vector<1x16x512xf32>,
    %get3A_33 = arith.constant 2 : index
    %get3A_34 = arith.constant 0 : index
    %get3A_35 = arith.constant 0 : index
    %get3A_36 = vector.load %arg1[%get3A_33, %get3A_34, %get3A_35] : memref<26x64x128xf32, #tpu.memory_space<vmem>>, vector<1x16x128xf32>
    %get3A_37 = vector.shape_cast %get3A_36 : vector<1x16x128xf32> to vector<16x128xf32>
    %concatenate3A_38 = tpu.concatenate %get3A_37, %get3A_37, %get3A_37, %get3A_37 in 1 : vector<16x128xf32>, vector<16x128xf32>, vector<16x128xf32>, vector<16x128xf32> -> vector<16x512xf32>
    %swap3A_39 = arith.constant 2 : index
    %swap3A_40 = arith.constant 0 : index
    %swap3A_41 = arith.constant 0 : index
    %swap3A_42 = vector.load %arg15[%swap3A_39, %swap3A_40, %swap3A_41] : memref<27x16x512xf32, #tpu.memory_space<vmem>>, vector<1x16x512xf32>
    %swap3A_43 = vector.shape_cast %swap3A_42 : vector<1x16x512xf32> to vector<16x512xf32>
    %swap3A_44 = vector.shape_cast %concatenate3A_38 : vector<16x512xf32> to vector<1x16x512xf32>
    tpu.vector_store %arg15[%swap3A_39, %swap3A_40, %swap3A_41], %swap3A_44 {strides = array<i32>} : memref<27x16x512xf32, #tpu.memory_space<vmem>>, vector<1x16x512xf32>,
    %get3A_45 = arith.constant 3 : index
    %get3A_46 = arith.constant 0 : index
    %get3A_47 = arith.constant 0 : index
    %get3A_48 = vector.load %arg1[%get3A_45, %get3A_46, %get3A_47] : memref<26x64x128xf32, #tpu.memory_space<vmem>>, vector<1x16x128xf32>
    %get3A_49 = vector.shape_cast %get3A_48 : vector<1x16x128xf32> to vector<16x128xf32>
    %concatenate3A_50 = tpu.concatenate %get3A_49, %get3A_49, %get3A_49, %get3A_49 in 1 : vector<16x128xf32>, vector<16x128xf32>, vector<16x128xf32>, vector<16x128xf32> -> vector<16x512xf32>
    %swap3A_51 = arith.constant 3 : index
    %swap3A_52 = arith.constant 0 : index
    %swap3A_53 = arith.constant 0 : index
    %swap3A_54 = vector.load %arg15[%swap3A_51, %swap3A_52, %swap3A_53] : memref<27x16x512xf32, #tpu.memory_space<vmem>>, vector<1x16x512xf32>
    %swap3A_55 = vector.shape_cast %swap3A_54 : vector<1x16x512xf32> to vector<16x512xf32>
    %swap3A_56 = vector.shape_cast %concatenate3A_50 : vector<16x512xf32> to vector<1x16x512xf32>
    tpu.vector_store %arg15[%swap3A_51, %swap3A_52, %swap3A_53], %swap3A_56 {strides = array<i32>} : memref<27x16x512xf32, #tpu.memory_space<vmem>>, vector<1x16x512xf32>,
    %get3A_57 = arith.constant 4 : index
    %get3A_58 = arith.constant 0 : index
    %get3A_59 = arith.constant 0 : index
    %get3A_60 = vector.load %arg1[%get3A_57, %get3A_58, %get3A_59] : memref<26x64x128xf32, #tpu.memory_space<vmem>>, vector<1x16x128xf32>
    %get3A_61 = vector.shape_cast %get3A_60 : vector<1x16x128xf32> to vector<16x128xf32>
    %concatenate3A_62 = tpu.concatenate %get3A_61, %get3A_61, %get3A_61, %get3A_61 in 1 : vector<16x128xf32>, vector<16x128xf32>, vector<16x128xf32>, vector<16x128xf32> -> vector<16x512xf32>
    %swap3A_63 = arith.constant 4 : index
    %swap3A_64 = arith.constant 0 : index
    %swap3A_65 = arith.constant 0 : index
    %swap3A_66 = vector.load %arg15[%swap3A_63, %swap3A_64, %swap3A_65] : memref<27x16x512xf32, #tpu.memory_space<vmem>>, vector<1x16x512xf32>
    %swap3A_67 = vector.shape_cast %swap3A_66 : vector<1x16x512xf32> to vector<16x512xf32>
    %swap3A_68 = vector.shape_cast %concatenate3A_62 : vector<16x512xf32> to vector<1x16x512xf32>
    tpu.vector_store %arg15[%swap3A_63, %swap3A_64, %swap3A_65], %swap3A_68 {strides = array<i32>} : memref<27x16x512xf32, #tpu.memory_space<vmem>>, vector<1x16x512xf32>,
    %get3A_69 = arith.constant 5 : index
    %get3A_70 = arith.constant 0 : index
    %get3A_71 = arith.constant 0 : index
    %get3A_72 = vector.load %arg1[%get3A_69, %get3A_70, %get3A_71] : memref<26x64x128xf32, #tpu.memory_space<vmem>>, vector<1x16x128xf32>
    %get3A_73 = vector.shape_cast %get3A_72 : vector<1x16x128xf32> to vector<16x128xf32>
    %concatenate3A_74 = tpu.concatenate %get3A_73, %get3A_73, %get3A_73, %get3A_73 in 1 : vector<16x128xf32>, vector<16x128xf32>, vector<16x128xf32>, vector<16x128xf32> -> vector<16x512xf32>
    %swap3A_75 = arith.constant 5 : index
    %swap3A_76 = arith.constant 0 : index
    %swap3A_77 = arith.constant 0 : index
    %swap3A_78 = vector.load %arg15[%swap3A_75, %swap3A_76, %swap3A_77] : memref<27x16x512xf32, #tpu.memory_space<vmem>>, vector<1x16x512xf32>
    %swap3A_79 = vector.shape_cast %swap3A_78 : vector<1x16x512xf32> to vector<16x512xf32>
    %swap3A_80 = vector.shape_cast %concatenate3A_74 : vector<16x512xf32> to vector<1x16x512xf32>
    tpu.vector_store %arg15[%swap3A_75, %swap3A_76, %swap3A_77], %swap3A_80 {strides = array<i32>} : memref<27x16x512xf32, #tpu.memory_space<vmem>>, vector<1x16x512xf32>,
    %get3A_81 = arith.constant 6 : index
    %get3A_82 = arith.constant 0 : index
    %get3A_83 = arith.constant 0 : index
    %get3A_84 = vector.load %arg1[%get3A_81, %get3A_82, %get3A_83] : memref<26x64x128xf32, #tpu.memory_space<vmem>>, vector<1x16x128xf32>
    %get3A_85 = vector.shape_cast %get3A_84 : vector<1x16x128xf32> to vector<16x128xf32>
    %concatenate3A_86 = tpu.concatenate %get3A_85, %get3A_85, %get3A_85, %get3A_85 in 1 : vector<16x128xf32>, vector<16x128xf32>, vector<16x128xf32>, vector<16x128xf32> -> vector<16x512xf32>
    %swap3A_87 = arith.constant 6 : index
    %swap3A_88 = arith.constant 0 : index
    %swap3A_89 = arith.constant 0 : index
    %swap3A_90 = vector.load %arg15[%swap3A_87, %swap3A_88, %swap3A_89] : memref<27x16x512xf32, #tpu.memory_space<vmem>>, vector<1x16x512xf32>
    %swap3A_91 = vector.shape_cast %swap3A_90 : vector<1x16x512xf32> to vector<16x512xf32>
    %swap3A_92 = vector.shape_cast %concatenate3A_86 : vector<16x512xf32> to vector<1x16x512xf32>
    tpu.vector_store %arg15[%swap3A_87, %swap3A_88, %swap3A_89], %swap3A_92 {strides = array<i32>} : memref<27x16x512xf32, #tpu.memory_space<vmem>>, vector<1x16x512xf32>,
    %get3A_93 = arith.constant 7 : index
    %get3A_94 = arith.constant 0 : index
    %get3A_95 = arith.constant 0 : index
    %get3A_96 = vector.load %arg1[%get3A_93, %get3A_94, %get3A_95] : memref<26x64x128xf32, #tpu.memory_space<vmem>>, vector<1x16x128xf32>
    %get3A_97 = vector.shape_cast %get3A_96 : vector<1x16x128xf32> to vector<16x128xf32>
    %concatenate3A_98 = tpu.concatenate %get3A_97, %get3A_97, %get3A_97, %get3A_97 in 1 : vector<16x128xf32>, vector<16x128xf32>, vector<16x128xf32>, vector<16x128xf32> -> vector<16x512xf32>
    %swap3A_99 = arith.constant 7 : index
    %swap3A_100 = arith.constant 0 : index
    %swap3A_101 = arith.constant 0 : index
    %swap3A_102 = vector.load %arg15[%swap3A_99, %swap3A_100, %swap3A_101] : memref<27x16x512xf32, #tpu.memory_space<vmem>>, vector<1x16x512xf32>
    %swap3A_103 = vector.shape_cast %swap3A_102 : vector<1x16x512xf32> to vector<16x512xf32>
    %swap3A_104 = vector.shape_cast %concatenate3A_98 : vector<16x512xf32> to vector<1x16x512xf32>
    tpu.vector_store %arg15[%swap3A_99, %swap3A_100, %swap3A_101], %swap3A_104 {strides = array<i32>} : memref<27x16x512xf32, #tpu.memory_space<vmem>>, vector<1x16x512xf32>,
    %get3A_105 = arith.constant 8 : index
    %get3A_106 = arith.constant 0 : index
    %get3A_107 = arith.constant 0 : index
    %get3A_108 = vector.load %arg1[%get3A_105, %get3A_106, %get3A_107] : memref<26x64x128xf32, #tpu.memory_space<vmem>>, vector<1x16x128xf32>
    %get3A_109 = vector.shape_cast %get3A_108 : vector<1x16x128xf32> to vector<16x128xf32>
    %concatenate3A_110 = tpu.concatenate %get3A_109, %get3A_109, %get3A_109, %get3A_109 in 1 : vector<16x128xf32>, vector<16x128xf32>, vector<16x128xf32>, vector<16x128xf32> -> vector<16x512xf32>
    %swap3A_111 = arith.constant 8 : index
    %swap3A_112 = arith.constant 0 : index
    %swap3A_113 = arith.constant 0 : index
    %swap3A_114 = vector.load %arg15[%swap3A_111, %swap3A_112, %swap3A_113] : memref<27x16x512xf32, #tpu.memory_space<vmem>>, vector<1x16x512xf32>
    %swap3A_115 = vector.shape_cast %swap3A_114 : vector<1x16x512xf32> to vector<16x512xf32>
    %swap3A_116 = vector.shape_cast %concatenate3A_110 : vector<16x512xf32> to vector<1x16x512xf32>
    tpu.vector_store %arg15[%swap3A_111, %swap3A_112, %swap3A_113], %swap3A_116 {strides = array<i32>} : memref<27x16x512xf32, #tpu.memory_space<vmem>>, vector<1x16x512xf32>,
    %get3A_117 = arith.constant 9 : index
    %get3A_118 = arith.constant 0 : index
    %get3A_119 = arith.constant 0 : index
    %get3A_120 = vector.load %arg1[%get3A_117, %get3A_118, %get3A_119] : memref<26x64x128xf32, #tpu.memory_space<vmem>>, vector<1x16x128xf32>
    %get3A_121 = vector.shape_cast %get3A_120 : vector<1x16x128xf32> to vector<16x128xf32>
    %concatenate3A_122 = tpu.concatenate %get3A_121, %get3A_121, %get3A_121, %get3A_121 in 1 : vector<16x128xf32>, vector<16x128xf32>, vector<16x128xf32>, vector<16x128xf32> -> vector<16x512xf32>
    %swap3A_123 = arith.constant 9 : index
    %swap3A_124 = arith.constant 0 : index
    %swap3A_125 = arith.constant 0 : index
    %swap3A_126 = vector.load %arg15[%swap3A_123, %swap3A_124, %swap3A_125] : memref<27x16x512xf32, #tpu.memory_space<vmem>>, vector<1x16x512xf32>
    %swap3A_127 = vector.shape_cast %swap3A_126 : vector<1x16x512xf32> to vector<16x512xf32>
    %swap3A_128 = vector.shape_cast %concatenate3A_122 : vector<16x512xf32> to vector<1x16x512xf32>
    tpu.vector_store %arg15[%swap3A_123, %swap3A_124, %swap3A_125], %swap3A_128 {strides = array<i32>} : memref<27x16x512xf32, #tpu.memory_space<vmem>>, vector<1x16x512xf32>,
    %get3A_129 = arith.constant 10 : index
    %get3A_130 = arith.constant 0 : index
    %get3A_131 = arith.constant 0 : index
    %get3A_132 = vector.load %arg1[%get3A_129, %get3A_130, %get3A_131] : memref<26x64x128xf32, #tpu.memory_space<vmem>>, vector<1x16x128xf32>
    %get3A_133 = vector.shape_cast %get3A_132 : vector<1x16x128xf32> to vector<16x128xf32>
    %concatenate3A_134 = tpu.concatenate %get3A_133, %get3A_133, %get3A_133, %get3A_133 in 1 : vector<16x128xf32>, vector<16x128xf32>, vector<16x128xf32>, vector<16x128xf32> -> vector<16x512xf32>
    %swap3A_135 = arith.constant 10 : index
    %swap3A_136 = arith.constant 0 : index
    %swap3A_137 = arith.constant 0 : index
    %swap3A_138 = vector.load %arg15[%swap3A_135, %swap3A_136, %swap3A_137] : memref<27x16x512xf32, #tpu.memory_space<vmem>>, vector<1x16x512xf32>
    %swap3A_139 = vector.shape_cast %swap3A_138 : vector<1x16x512xf32> to vector<16x512xf32>
    %swap3A_140 = vector.shape_cast %concatenate3A_134 : vector<16x512xf32> to vector<1x16x512xf32>
    tpu.vector_store %arg15[%swap3A_135, %swap3A_136, %swap3A_137], %swap3A_140 {strides = array<i32>} : memref<27x16x512xf32, #tpu.memory_space<vmem>>, vector<1x16x512xf32>,
    %get3A_141 = arith.constant 11 : index
    %get3A_142 = arith.constant 0 : index
    %get3A_143 = arith.constant 0 : index
    %get3A_144 = vector.load %arg1[%get3A_141, %get3A_142, %get3A_143] : memref<26x64x128xf32, #tpu.memory_space<vmem>>, vector<1x16x128xf32>
    %get3A_145 = vector.shape_cast %get3A_144 : vector<1x16x128xf32> to vector<16x128xf32>
    %concatenate3A_146 = tpu.concatenate %get3A_145, %get3A_145, %get3A_145, %get3A_145 in 1 : vector<16x128xf32>, vector<16x128xf32>, vector<16x128xf32>, vector<16x128xf32> -> vector<16x512xf32>
    %swap3A_147 = arith.constant 11 : index
    %swap3A_148 = arith.constant 0 : index
    %swap3A_149 = arith.constant 0 : index
    %swap3A_150 = vector.load %arg15[%swap3A_147, %swap3A_148, %swap3A_149] : memref<27x16x512xf32, #tpu.memory_space<vmem>>, vector<1x16x512xf32>
    %swap3A_151 = vector.shape_cast %swap3A_150 : vector<1x16x512xf32> to vector<16x512xf32>
    %swap3A_152 = vector.shape_cast %concatenate3A_146 : vector<16x512xf32> to vector<1x16x512xf32>
    tpu.vector_store %arg15[%swap3A_147, %swap3A_148, %swap3A_149], %swap3A_152 {strides = array<i32>} : memref<27x16x512xf32, #tpu.memory_space<vmem>>, vector<1x16x512xf32>,
    %get3A_153 = arith.constant 12 : index
    %get3A_154 = arith.constant 0 : index
    %get3A_155 = arith.constant 0 : index
    %get3A_156 = vector.load %arg1[%get3A_153, %get3A_154, %get3A_155] : memref<26x64x128xf32, #tpu.memory_space<vmem>>, vector<1x16x128xf32>
    %get3A_157 = vector.shape_cast %get3A_156 : vector<1x16x128xf32> to vector<16x128xf32>
    %concatenate3A_158 = tpu.concatenate %get3A_157, %get3A_157, %get3A_157, %get3A_157 in 1 : vector<16x128xf32>, vector<16x128xf32>, vector<16x128xf32>, vector<16x128xf32> -> vector<16x512xf32>
    %swap3A_159 = arith.constant 12 : index
    %swap3A_160 = arith.constant 0 : index
    %swap3A_161 = arith.constant 0 : index
    %swap3A_162 = vector.load %arg15[%swap3A_159, %swap3A_160, %swap3A_161] : memref<27x16x512xf32, #tpu.memory_space<vmem>>, vector<1x16x512xf32>
    %swap3A_163 = vector.shape_cast %swap3A_162 : vector<1x16x512xf32> to vector<16x512xf32>
    %swap3A_164 = vector.shape_cast %concatenate3A_158 : vector<16x512xf32> to vector<1x16x512xf32>
    tpu.vector_store %arg15[%swap3A_159, %swap3A_160, %swap3A_161], %swap3A_164 {strides = array<i32>} : memref<27x16x512xf32, #tpu.memory_space<vmem>>, vector<1x16x512xf32>,
    %get3A_165 = arith.constant 13 : index
    %get3A_166 = arith.constant 0 : index
    %get3A_167 = arith.constant 0 : index
    %get3A_168 = vector.load %arg1[%get3A_165, %get3A_166, %get3A_167] : memref<26x64x128xf32, #tpu.memory_space<vmem>>, vector<1x16x128xf32>
    %get3A_169 = vector.shape_cast %get3A_168 : vector<1x16x128xf32> to vector<16x128xf32>
    %concatenate3A_170 = tpu.concatenate %get3A_169, %get3A_169, %get3A_169, %get3A_169 in 1 : vector<16x128xf32>, vector<16x128xf32>, vector<16x128xf32>, vector<16x128xf32> -> vector<16x512xf32>
    %swap3A_171 = arith.constant 13 : index
    %swap3A_172 = arith.constant 0 : index
    %swap3A_173 = arith.constant 0 : index
    %swap3A_174 = vector.load %arg15[%swap3A_171, %swap3A_172, %swap3A_173] : memref<27x16x512xf32, #tpu.memory_space<vmem>>, vector<1x16x512xf32>
    %swap3A_175 = vector.shape_cast %swap3A_174 : vector<1x16x512xf32> to vector<16x512xf32>
    %swap3A_176 = vector.shape_cast %concatenate3A_170 : vector<16x512xf32> to vector<1x16x512xf32>
    tpu.vector_store %arg15[%swap3A_171, %swap3A_172, %swap3A_173], %swap3A_176 {strides = array<i32>} : memref<27x16x512xf32, #tpu.memory_space<vmem>>, vector<1x16x512xf32>,
    %get3A_177 = arith.constant 14 : index
    %get3A_178 = arith.constant 0 : index
    %get3A_179 = arith.constant 0 : index
    %get3A_180 = vector.load %arg1[%get3A_177, %get3A_178, %get3A_179] : memref<26x64x128xf32, #tpu.memory_space<vmem>>, vector<1x16x128xf32>
    %get3A_181 = vector.shape_cast %get3A_180 : vector<1x16x128xf32> to vector<16x128xf32>
    %concatenate3A_182 = tpu.concatenate %get3A_181, %get3A_181, %get3A_181, %get3A_181 in 1 : vector<16x128xf32>, vector<16x128xf32>, vector<16x128xf32>, vector<16x128xf32> -> vector<16x512xf32>
    %swap3A_183 = arith.constant 14 : index
    %swap3A_184 = arith.constant 0 : index
    %swap3A_185 = arith.constant 0 : index
    %swap3A_186 = vector.load %arg15[%swap3A_183, %swap3A_184, %swap3A_185] : memref<27x16x512xf32, #tpu.memory_space<vmem>>, vector<1x16x512xf32>
    %swap3A_187 = vector.shape_cast %swap3A_186 : vector<1x16x512xf32> to vector<16x512xf32>
    %swap3A_188 = vector.shape_cast %concatenate3A_182 : vector<16x512xf32> to vector<1x16x512xf32>
    tpu.vector_store %arg15[%swap3A_183, %swap3A_184, %swap3A_185], %swap3A_188 {strides = array<i32>} : memref<27x16x512xf32, #tpu.memory_space<vmem>>, vector<1x16x512xf32>,
    %get3A_189 = arith.constant 15 : index
    %get3A_190 = arith.constant 0 : index
    %get3A_191 = arith.constant 0 : index
    %get3A_192 = vector.load %arg1[%get3A_189, %get3A_190, %get3A_191] : memref<26x64x128xf32, #tpu.memory_space<vmem>>, vector<1x16x128xf32>
    %get3A_193 = vector.shape_cast %get3A_192 : vector<1x16x128xf32> to vector<16x128xf32>
    %concatenate3A_194 = tpu.concatenate %get3A_193, %get3A_193, %get3A_193, %get3A_193 in 1 : vector<16x128xf32>, vector<16x128xf32>, vector<16x128xf32>, vector<16x128xf32> -> vector<16x512xf32>
    %swap3A_195 = arith.constant 15 : index
    %swap3A_196 = arith.constant 0 : index
    %swap3A_197 = arith.constant 0 : index
    %swap3A_198 = vector.load %arg15[%swap3A_195, %swap3A_196, %swap3A_197] : memref<27x16x512xf32, #tpu.memory_space<vmem>>, vector<1x16x512xf32>
    %swap3A_199 = vector.shape_cast %swap3A_198 : vector<1x16x512xf32> to vector<16x512xf32>
    %swap3A_200 = vector.shape_cast %concatenate3A_194 : vector<16x512xf32> to vector<1x16x512xf32>
    tpu.vector_store %arg15[%swap3A_195, %swap3A_196, %swap3A_197], %swap3A_200 {strides = array<i32>} : memref<27x16x512xf32, #tpu.memory_space<vmem>>, vector<1x16x512xf32>,
    %get3A_201 = arith.constant 16 : index
    %get3A_202 = arith.constant 0 : index
    %get3A_203 = arith.constant 0 : index
    %get3A_204 = vector.load %arg1[%get3A_201, %get3A_202, %get3A_203] : memref<26x64x128xf32, #tpu.memory_space<vmem>>, vector<1x16x128xf32>
    %get3A_205 = vector.shape_cast %get3A_204 : vector<1x16x128xf32> to vector<16x128xf32>
    %concatenate3A_206 = tpu.concatenate %get3A_205, %get3A_205, %get3A_205, %get3A_205 in 1 : vector<16x128xf32>, vector<16x128xf32>, vector<16x128xf32>, vector<16x128xf32> -> vector<16x512xf32>
    %swap3A_207 = arith.constant 16 : index
    %swap3A_208 = arith.constant 0 : index
    %swap3A_209 = arith.constant 0 : index
    %swap3A_210 = vector.load %arg15[%swap3A_207, %swap3A_208, %swap3A_209] : memref<27x16x512xf32, #tpu.memory_space<vmem>>, vector<1x16x512xf32>
    %swap3A_211 = vector.shape_cast %swap3A_210 : vector<1x16x512xf32> to vector<16x512xf32>
    %swap3A_212 = vector.shape_cast %concatenate3A_206 : vector<16x512xf32> to vector<1x16x512xf32>
    tpu.vector_store %arg15[%swap3A_207, %swap3A_208, %swap3A_209], %swap3A_212 {strides = array<i32>} : memref<27x16x512xf32, #tpu.memory_space<vmem>>, vector<1x16x512xf32>,
    %get3A_213 = arith.constant 17 : index
    %get3A_214 = arith.constant 0 : index
    %get3A_215 = arith.constant 0 : index
    %get3A_216 = vector.load %arg1[%get3A_213, %get3A_214, %get3A_215] : memref<26x64x128xf32, #tpu.memory_space<vmem>>, vector<1x16x128xf32>
    %get3A_217 = vector.shape_cast %get3A_216 : vector<1x16x128xf32> to vector<16x128xf32>
    %concatenate3A_218 = tpu.concatenate %get3A_217, %get3A_217, %get3A_217, %get3A_217 in 1 : vector<16x128xf32>, vector<16x128xf32>, vector<16x128xf32>, vector<16x128xf32> -> vector<16x512xf32>
    %swap3A_219 = arith.constant 17 : index
    %swap3A_220 = arith.constant 0 : index
    %swap3A_221 = arith.constant 0 : index
    %swap3A_222 = vector.load %arg15[%swap3A_219, %swap3A_220, %swap3A_221] : memref<27x16x512xf32, #tpu.memory_space<vmem>>, vector<1x16x512xf32>
    %swap3A_223 = vector.shape_cast %swap3A_222 : vector<1x16x512xf32> to vector<16x512xf32>
    %swap3A_224 = vector.shape_cast %concatenate3A_218 : vector<16x512xf32> to vector<1x16x512xf32>
    tpu.vector_store %arg15[%swap3A_219, %swap3A_220, %swap3A_221], %swap3A_224 {strides = array<i32>} : memref<27x16x512xf32, #tpu.memory_space<vmem>>, vector<1x16x512xf32>,
    %get3A_225 = arith.constant 18 : index
    %get3A_226 = arith.constant 0 : index
    %get3A_227 = arith.constant 0 : index
    %get3A_228 = vector.load %arg1[%get3A_225, %get3A_226, %get3A_227] : memref<26x64x128xf32, #tpu.memory_space<vmem>>, vector<1x16x128xf32>
    %get3A_229 = vector.shape_cast %get3A_228 : vector<1x16x128xf32> to vector<16x128xf32>
    %concatenate3A_230 = tpu.concatenate %get3A_229, %get3A_229, %get3A_229, %get3A_229 in 1 : vector<16x128xf32>, vector<16x128xf32>, vector<16x128xf32>, vector<16x128xf32> -> vector<16x512xf32>
    %swap3A_231 = arith.constant 18 : index
    %swap3A_232 = arith.constant 0 : index
    %swap3A_233 = arith.constant 0 : index
    %swap3A_234 = vector.load %arg15[%swap3A_231, %swap3A_232, %swap3A_233] : memref<27x16x512xf32, #tpu.memory_space<vmem>>, vector<1x16x512xf32>
    %swap3A_235 = vector.shape_cast %swap3A_234 : vector<1x16x512xf32> to vector<16x512xf32>
    %swap3A_236 = vector.shape_cast %concatenate3A_230 : vector<16x512xf32> to vector<1x16x512xf32>
    tpu.vector_store %arg15[%swap3A_231, %swap3A_232, %swap3A_233], %swap3A_236 {strides = array<i32>} : memref<27x16x512xf32, #tpu.memory_space<vmem>>, vector<1x16x512xf32>,
    %get3A_237 = arith.constant 19 : index
    %get3A_238 = arith.constant 0 : index
    %get3A_239 = arith.constant 0 : index
    %get3A_240 = vector.load %arg1[%get3A_237, %get3A_238, %get3A_239] : memref<26x64x128xf32, #tpu.memory_space<vmem>>, vector<1x16x128xf32>
    %get3A_241 = vector.shape_cast %get3A_240 : vector<1x16x128xf32> to vector<16x128xf32>
    %concatenate3A_242 = tpu.concatenate %get3A_241, %get3A_241, %get3A_241, %get3A_241 in 1 : vector<16x128xf32>, vector<16x128xf32>, vector<16x128xf32>, vector<16x128xf32> -> vector<16x512xf32>
    %swap3A_243 = arith.constant 19 : index
    %swap3A_244 = arith.constant 0 : index
    %swap3A_245 = arith.constant 0 : index
    %swap3A_246 = vector.load %arg15[%swap3A_243, %swap3A_244, %swap3A_245] : memref<27x16x512xf32, #tpu.memory_space<vmem>>, vector<1x16x512xf32>
    %swap3A_247 = vector.shape_cast %swap3A_246 : vector<1x16x512xf32> to vector<16x512xf32>
    %swap3A_248 = vector.shape_cast %concatenate3A_242 : vector<16x512xf32> to vector<1x16x512xf32>
    tpu.vector_store %arg15[%swap3A_243, %swap3A_244, %swap3A_245], %swap3A_248 {strides = array<i32>} : memref<27x16x512xf32, #tpu.memory_space<vmem>>, vector<1x16x512xf32>,
    %get3A_249 = arith.constant 20 : index
    %get3A_250 = arith.constant 0 : index
    %get3A_251 = arith.constant 0 : index
    %get3A_252 = vector.load %arg1[%get3A_249, %get3A_250, %get3A_251] : memref<26x64x128xf32, #tpu.memory_space<vmem>>, vector<1x16x128xf32>
    %get3A_253 = vector.shape_cast %get3A_252 : vector<1x16x128xf32> to vector<16x128xf32>
    %concatenate3A_254 = tpu.concatenate %get3A_253, %get3A_253, %get3A_253, %get3A_253 in 1 : vector<16x128xf32>, vector<16x128xf32>, vector<16x128xf32>, vector<16x128xf32> -> vector<16x512xf32>
    %swap3A_255 = arith.constant 20 : index
    %swap3A_256 = arith.constant 0 : index
    %swap3A_257 = arith.constant 0 : index
    %swap3A_258 = vector.load %arg15[%swap3A_255, %swap3A_256, %swap3A_257] : memref<27x16x512xf32, #tpu.memory_space<vmem>>, vector<1x16x512xf32>
    %swap3A_259 = vector.shape_cast %swap3A_258 : vector<1x16x512xf32> to vector<16x512xf32>
    %swap3A_260 = vector.shape_cast %concatenate3A_254 : vector<16x512xf32> to vector<1x16x512xf32>
    tpu.vector_store %arg15[%swap3A_255, %swap3A_256, %swap3A_257], %swap3A_260 {strides = array<i32>} : memref<27x16x512xf32, #tpu.memory_space<vmem>>, vector<1x16x512xf32>,
    %get3A_261 = arith.constant 21 : index
    %get3A_262 = arith.constant 0 : index
    %get3A_263 = arith.constant 0 : index
    %get3A_264 = vector.load %arg1[%get3A_261, %get3A_262, %get3A_263] : memref<26x64x128xf32, #tpu.memory_space<vmem>>, vector<1x16x128xf32>
    %get3A_265 = vector.shape_cast %get3A_264 : vector<1x16x128xf32> to vector<16x128xf32>
    %concatenate3A_266 = tpu.concatenate %get3A_265, %get3A_265, %get3A_265, %get3A_265 in 1 : vector<16x128xf32>, vector<16x128xf32>, vector<16x128xf32>, vector<16x128xf32> -> vector<16x512xf32>
    %swap3A_267 = arith.constant 21 : index
    %swap3A_268 = arith.constant 0 : index
    %swap3A_269 = arith.constant 0 : index
    %swap3A_270 = vector.load %arg15[%swap3A_267, %swap3A_268, %swap3A_269] : memref<27x16x512xf32, #tpu.memory_space<vmem>>, vector<1x16x512xf32>
    %swap3A_271 = vector.shape_cast %swap3A_270 : vector<1x16x512xf32> to vector<16x512xf32>
    %swap3A_272 = vector.shape_cast %concatenate3A_266 : vector<16x512xf32> to vector<1x16x512xf32>
    tpu.vector_store %arg15[%swap3A_267, %swap3A_268, %swap3A_269], %swap3A_272 {strides = array<i32>} : memref<27x16x512xf32, #tpu.memory_space<vmem>>, vector<1x16x512xf32>,
    %get3A_273 = arith.constant 22 : index
    %get3A_274 = arith.constant 0 : index
    %get3A_275 = arith.constant 0 : index
    %get3A_276 = vector.load %arg1[%get3A_273, %get3A_274, %get3A_275] : memref<26x64x128xf32, #tpu.memory_space<vmem>>, vector<1x16x128xf32>
    %get3A_277 = vector.shape_cast %get3A_276 : vector<1x16x128xf32> to vector<16x128xf32>
    %concatenate3A_278 = tpu.concatenate %get3A_277, %get3A_277, %get3A_277, %get3A_277 in 1 : vector<16x128xf32>, vector<16x128xf32>, vector<16x128xf32>, vector<16x128xf32> -> vector<16x512xf32>
    %swap3A_279 = arith.constant 22 : index
    %swap3A_280 = arith.constant 0 : index
    %swap3A_281 = arith.constant 0 : index
    %swap3A_282 = vector.load %arg15[%swap3A_279, %swap3A_280, %swap3A_281] : memref<27x16x512xf32, #tpu.memory_space<vmem>>, vector<1x16x512xf32>
    %swap3A_283 = vector.shape_cast %swap3A_282 : vector<1x16x512xf32> to vector<16x512xf32>
    %swap3A_284 = vector.shape_cast %concatenate3A_278 : vector<16x512xf32> to vector<1x16x512xf32>
    tpu.vector_store %arg15[%swap3A_279, %swap3A_280, %swap3A_281], %swap3A_284 {strides = array<i32>} : memref<27x16x512xf32, #tpu.memory_space<vmem>>, vector<1x16x512xf32>,
    %get3A_285 = arith.constant 23 : index
    %get3A_286 = arith.constant 0 : index
    %get3A_287 = arith.constant 0 : index
    %get3A_288 = vector.load %arg1[%get3A_285, %get3A_286, %get3A_287] : memref<26x64x128xf32, #tpu.memory_space<vmem>>, vector<1x16x128xf32>
    %get3A_289 = vector.shape_cast %get3A_288 : vector<1x16x128xf32> to vector<16x128xf32>
    %concatenate3A_290 = tpu.concatenate %get3A_289, %get3A_289, %get3A_289, %get3A_289 in 1 : vector<16x128xf32>, vector<16x128xf32>, vector<16x128xf32>, vector<16x128xf32> -> vector<16x512xf32>
    %swap3A_291 = arith.constant 23 : index
    %swap3A_292 = arith.constant 0 : index
    %swap3A_293 = arith.constant 0 : index
    %swap3A_294 = vector.load %arg15[%swap3A_291, %swap3A_292, %swap3A_293] : memref<27x16x512xf32, #tpu.memory_space<vmem>>, vector<1x16x512xf32>
    %swap3A_295 = vector.shape_cast %swap3A_294 : vector<1x16x512xf32> to vector<16x512xf32>
    %swap3A_296 = vector.shape_cast %concatenate3A_290 : vector<16x512xf32> to vector<1x16x512xf32>
    tpu.vector_store %arg15[%swap3A_291, %swap3A_292, %swap3A_293], %swap3A_296 {strides = array<i32>} : memref<27x16x512xf32, #tpu.memory_space<vmem>>, vector<1x16x512xf32>,
    %get3A_297 = arith.constant 24 : index
    %get3A_298 = arith.constant 0 : index
    %get3A_299 = arith.constant 0 : index
    %get3A_300 = vector.load %arg1[%get3A_297, %get3A_298, %get3A_299] : memref<26x64x128xf32, #tpu.memory_space<vmem>>, vector<1x16x128xf32>
    %get3A_301 = vector.shape_cast %get3A_300 : vector<1x16x128xf32> to vector<16x128xf32>
    %concatenate3A_302 = tpu.concatenate %get3A_301, %get3A_301, %get3A_301, %get3A_301 in 1 : vector<16x128xf32>, vector<16x128xf32>, vector<16x128xf32>, vector<16x128xf32> -> vector<16x512xf32>
    %swap3A_303 = arith.constant 24 : index
    %swap3A_304 = arith.constant 0 : index
    %swap3A_305 = arith.constant 0 : index
    %swap3A_306 = vector.load %arg15[%swap3A_303, %swap3A_304, %swap3A_305] : memref<27x16x512xf32, #tpu.memory_space<vmem>>, vector<1x16x512xf32>
    %swap3A_307 = vector.shape_cast %swap3A_306 : vector<1x16x512xf32> to vector<16x512xf32>
    %swap3A_308 = vector.shape_cast %concatenate3A_302 : vector<16x512xf32> to vector<1x16x512xf32>
    tpu.vector_store %arg15[%swap3A_303, %swap3A_304, %swap3A_305], %swap3A_308 {strides = array<i32>} : memref<27x16x512xf32, #tpu.memory_space<vmem>>, vector<1x16x512xf32>,
    %get3A_309 = arith.constant 25 : index
    %get3A_310 = arith.constant 0 : index
    %get3A_311 = arith.constant 0 : index
    %get3A_312 = vector.load %arg1[%get3A_309, %get3A_310, %get3A_311] : memref<26x64x128xf32, #tpu.memory_space<vmem>>, vector<1x16x128xf32>
    %get3A_313 = vector.shape_cast %get3A_312 : vector<1x16x128xf32> to vector<16x128xf32>
    %concatenate3A_314 = tpu.concatenate %get3A_313, %get3A_313, %get3A_313, %get3A_313 in 1 : vector<16x128xf32>, vector<16x128xf32>, vector<16x128xf32>, vector<16x128xf32> -> vector<16x512xf32>
    %swap3A_315 = arith.constant 25 : index
    %swap3A_316 = arith.constant 0 : index
    %swap3A_317 = arith.constant 0 : index
    %swap3A_318 = vector.load %arg15[%swap3A_315, %swap3A_316, %swap3A_317] : memref<27x16x512xf32, #tpu.memory_space<vmem>>, vector<1x16x512xf32>
    %swap3A_319 = vector.shape_cast %swap3A_318 : vector<1x16x512xf32> to vector<16x512xf32>
    %swap3A_320 = vector.shape_cast %concatenate3A_314 : vector<16x512xf32> to vector<1x16x512xf32>
    tpu.vector_store %arg15[%swap3A_315, %swap3A_316, %swap3A_317], %swap3A_320 {strides = array<i32>} : memref<27x16x512xf32, #tpu.memory_space<vmem>>, vector<1x16x512xf32>,
    %swap3A_321 = arith.constant 26 : index
    %swap3A_322 = arith.constant 0 : index
    %swap3A_323 = arith.constant 0 : index
    %swap3A_324 = vector.load %arg15[%swap3A_321, %swap3A_322, %swap3A_323] : memref<27x16x512xf32, #tpu.memory_space<vmem>>, vector<1x16x512xf32>
    %swap3A_325 = vector.shape_cast %swap3A_324 : vector<1x16x512xf32> to vector<16x512xf32>
    %swap3A_326 = vector.shape_cast %add3A_10 : vector<16x512xf32> to vector<1x16x512xf32>
    tpu.vector_store %arg15[%swap3A_321, %swap3A_322, %swap3A_323], %swap3A_326 {strides = array<i32>} : memref<27x16x512xf32, #tpu.memory_space<vmem>>, vector<1x16x512xf32>,
    %get3A_327 = arith.constant 0 : index
    %get3A_328 = arith.constant 0 : index
    %get3A_329 = arith.constant 0 : index
    %get3A_330 = vector.load %arg15[%get3A_327, %get3A_328, %get3A_329] : memref<27x16x512xf32, #tpu.memory_space<vmem>>, vector<27x16x512xf32>
    %slice3A = vector.extract_strided_slice %get3A_330 {offsets = [1, 0, 0], sizes = [26, 16, 512], strides = [1, 1, 1]} : vector<27x16x512xf32> to vector<26x16x512xf32>
    %slice3A_331 = vector.extract_strided_slice %get3A_330 {offsets = [0, 0, 0], sizes = [1, 16, 512], strides = [1, 1, 1]} : vector<27x16x512xf32> to vector<1x16x512xf32>
    %mul3A_332 = vector.broadcast %slice3A_331 : vector<1x16x512xf32> to vector<26x16x512xf32>
    %mul3A_333 = arith.mulf %slice3A, %mul3A_332 : vector<26x16x512xf32>
    %reduce_sum3A = arith.constant dense<0.000000e+00> : vector<26x512xf32>
    %reduce_sum3A_334 = vector.multi_reduction <add>, %mul3A_333, %reduce_sum3A [1] : vector<26x16x512xf32> to vector<26x512xf32>
    %swap3A_335 = arith.constant 0 : index
    %swap3A_336 = arith.constant 0 : index
    %swap3A_337 = vector.load %arg16[%swap3A_335, %swap3A_336] : memref<351x512xf32, #tpu.memory_space<vmem>>, vector<26x512xf32>
    tpu.vector_store %arg16[%swap3A_335, %swap3A_336], %reduce_sum3A_334 {strides = array<i32>} : memref<351x512xf32, #tpu.memory_space<vmem>>, vector<26x512xf32>,
    %slice3A_338 = vector.extract_strided_slice %get3A_330 {offsets = [2, 0, 0], sizes = [25, 16, 512], strides = [1, 1, 1]} : vector<27x16x512xf32> to vector<25x16x512xf32>
    %slice3A_339 = vector.extract_strided_slice %get3A_330 {offsets = [1, 0, 0], sizes = [1, 16, 512], strides = [1, 1, 1]} : vector<27x16x512xf32> to vector<1x16x512xf32>
    %mul3A_340 = vector.broadcast %slice3A_339 : vector<1x16x512xf32> to vector<25x16x512xf32>
    %mul3A_341 = arith.mulf %slice3A_338, %mul3A_340 : vector<25x16x512xf32>
    %reduce_sum3A_342 = arith.constant dense<0.000000e+00> : vector<25x512xf32>
    %reduce_sum3A_343 = vector.multi_reduction <add>, %mul3A_341, %reduce_sum3A_342 [1] : vector<25x16x512xf32> to vector<25x512xf32>
    %swap3A_344 = arith.constant 26 : index
    %swap3A_345 = arith.constant 0 : index
    %swap3A_346 = vector.load %arg16[%swap3A_344, %swap3A_345] : memref<351x512xf32, #tpu.memory_space<vmem>>, vector<25x512xf32>
    tpu.vector_store %arg16[%swap3A_344, %swap3A_345], %reduce_sum3A_343 {strides = array<i32>} : memref<351x512xf32, #tpu.memory_space<vmem>>, vector<25x512xf32>,
    %slice3A_347 = vector.extract_strided_slice %get3A_330 {offsets = [3, 0, 0], sizes = [24, 16, 512], strides = [1, 1, 1]} : vector<27x16x512xf32> to vector<24x16x512xf32>
    %slice3A_348 = vector.extract_strided_slice %get3A_330 {offsets = [2, 0, 0], sizes = [1, 16, 512], strides = [1, 1, 1]} : vector<27x16x512xf32> to vector<1x16x512xf32>
    %mul3A_349 = vector.broadcast %slice3A_348 : vector<1x16x512xf32> to vector<24x16x512xf32>
    %mul3A_350 = arith.mulf %slice3A_347, %mul3A_349 : vector<24x16x512xf32>
    %reduce_sum3A_351 = arith.constant dense<0.000000e+00> : vector<24x512xf32>
    %reduce_sum3A_352 = vector.multi_reduction <add>, %mul3A_350, %reduce_sum3A_351 [1] : vector<24x16x512xf32> to vector<24x512xf32>
    %swap3A_353 = arith.constant 51 : index
    %swap3A_354 = arith.constant 0 : index
    %swap3A_355 = vector.load %arg16[%swap3A_353, %swap3A_354] : memref<351x512xf32, #tpu.memory_space<vmem>>, vector<24x512xf32>
    tpu.vector_store %arg16[%swap3A_353, %swap3A_354], %reduce_sum3A_352 {strides = array<i32>} : memref<351x512xf32, #tpu.memory_space<vmem>>, vector<24x512xf32>,
    %slice3A_356 = vector.extract_strided_slice %get3A_330 {offsets = [4, 0, 0], sizes = [23, 16, 512], strides = [1, 1, 1]} : vector<27x16x512xf32> to vector<23x16x512xf32>
    %slice3A_357 = vector.extract_strided_slice %get3A_330 {offsets = [3, 0, 0], sizes = [1, 16, 512], strides = [1, 1, 1]} : vector<27x16x512xf32> to vector<1x16x512xf32>
    %mul3A_358 = vector.broadcast %slice3A_357 : vector<1x16x512xf32> to vector<23x16x512xf32>
    %mul3A_359 = arith.mulf %slice3A_356, %mul3A_358 : vector<23x16x512xf32>
    %reduce_sum3A_360 = arith.constant dense<0.000000e+00> : vector<23x512xf32>
    %reduce_sum3A_361 = vector.multi_reduction <add>, %mul3A_359, %reduce_sum3A_360 [1] : vector<23x16x512xf32> to vector<23x512xf32>
    %swap3A_362 = arith.constant 75 : index
    %swap3A_363 = arith.constant 0 : index
    %swap3A_364 = vector.load %arg16[%swap3A_362, %swap3A_363] : memref<351x512xf32, #tpu.memory_space<vmem>>, vector<23x512xf32>
    tpu.vector_store %arg16[%swap3A_362, %swap3A_363], %reduce_sum3A_361 {strides = array<i32>} : memref<351x512xf32, #tpu.memory_space<vmem>>, vector<23x512xf32>,
    %slice3A_365 = vector.extract_strided_slice %get3A_330 {offsets = [5, 0, 0], sizes = [22, 16, 512], strides = [1, 1, 1]} : vector<27x16x512xf32> to vector<22x16x512xf32>
    %slice3A_366 = vector.extract_strided_slice %get3A_330 {offsets = [4, 0, 0], sizes = [1, 16, 512], strides = [1, 1, 1]} : vector<27x16x512xf32> to vector<1x16x512xf32>
    %mul3A_367 = vector.broadcast %slice3A_366 : vector<1x16x512xf32> to vector<22x16x512xf32>
    %mul3A_368 = arith.mulf %slice3A_365, %mul3A_367 : vector<22x16x512xf32>
    %reduce_sum3A_369 = arith.constant dense<0.000000e+00> : vector<22x512xf32>
    %reduce_sum3A_370 = vector.multi_reduction <add>, %mul3A_368, %reduce_sum3A_369 [1] : vector<22x16x512xf32> to vector<22x512xf32>
    %swap3A_371 = arith.constant 98 : index
    %swap3A_372 = arith.constant 0 : index
    %swap3A_373 = vector.load %arg16[%swap3A_371, %swap3A_372] : memref<351x512xf32, #tpu.memory_space<vmem>>, vector<22x512xf32>
    tpu.vector_store %arg16[%swap3A_371, %swap3A_372], %reduce_sum3A_370 {strides = array<i32>} : memref<351x512xf32, #tpu.memory_space<vmem>>, vector<22x512xf32>,
    %slice3A_374 = vector.extract_strided_slice %get3A_330 {offsets = [6, 0, 0], sizes = [21, 16, 512], strides = [1, 1, 1]} : vector<27x16x512xf32> to vector<21x16x512xf32>
    %slice3A_375 = vector.extract_strided_slice %get3A_330 {offsets = [5, 0, 0], sizes = [1, 16, 512], strides = [1, 1, 1]} : vector<27x16x512xf32> to vector<1x16x512xf32>
    %mul3A_376 = vector.broadcast %slice3A_375 : vector<1x16x512xf32> to vector<21x16x512xf32>
    %mul3A_377 = arith.mulf %slice3A_374, %mul3A_376 : vector<21x16x512xf32>
    %reduce_sum3A_378 = arith.constant dense<0.000000e+00> : vector<21x512xf32>
    %reduce_sum3A_379 = vector.multi_reduction <add>, %mul3A_377, %reduce_sum3A_378 [1] : vector<21x16x512xf32> to vector<21x512xf32>
    %swap3A_380 = arith.constant 120 : index
    %swap3A_381 = arith.constant 0 : index
    %swap3A_382 = vector.load %arg16[%swap3A_380, %swap3A_381] : memref<351x512xf32, #tpu.memory_space<vmem>>, vector<21x512xf32>
    tpu.vector_store %arg16[%swap3A_380, %swap3A_381], %reduce_sum3A_379 {strides = array<i32>} : memref<351x512xf32, #tpu.memory_space<vmem>>, vector<21x512xf32>,
    %slice3A_383 = vector.extract_strided_slice %get3A_330 {offsets = [7, 0, 0], sizes = [20, 16, 512], strides = [1, 1, 1]} : vector<27x16x512xf32> to vector<20x16x512xf32>
    %slice3A_384 = vector.extract_strided_slice %get3A_330 {offsets = [6, 0, 0], sizes = [1, 16, 512], strides = [1, 1, 1]} : vector<27x16x512xf32> to vector<1x16x512xf32>
    %mul3A_385 = vector.broadcast %slice3A_384 : vector<1x16x512xf32> to vector<20x16x512xf32>
    %mul3A_386 = arith.mulf %slice3A_383, %mul3A_385 : vector<20x16x512xf32>
    %reduce_sum3A_387 = arith.constant dense<0.000000e+00> : vector<20x512xf32>
    %reduce_sum3A_388 = vector.multi_reduction <add>, %mul3A_386, %reduce_sum3A_387 [1] : vector<20x16x512xf32> to vector<20x512xf32>
    %swap3A_389 = arith.constant 141 : index
    %swap3A_390 = arith.constant 0 : index
    %swap3A_391 = vector.load %arg16[%swap3A_389, %swap3A_390] : memref<351x512xf32, #tpu.memory_space<vmem>>, vector<20x512xf32>
    tpu.vector_store %arg16[%swap3A_389, %swap3A_390], %reduce_sum3A_388 {strides = array<i32>} : memref<351x512xf32, #tpu.memory_space<vmem>>, vector<20x512xf32>,
    %slice3A_392 = vector.extract_strided_slice %get3A_330 {offsets = [8, 0, 0], sizes = [19, 16, 512], strides = [1, 1, 1]} : vector<27x16x512xf32> to vector<19x16x512xf32>
    %slice3A_393 = vector.extract_strided_slice %get3A_330 {offsets = [7, 0, 0], sizes = [1, 16, 512], strides = [1, 1, 1]} : vector<27x16x512xf32> to vector<1x16x512xf32>
    %mul3A_394 = vector.broadcast %slice3A_393 : vector<1x16x512xf32> to vector<19x16x512xf32>
    %mul3A_395 = arith.mulf %slice3A_392, %mul3A_394 : vector<19x16x512xf32>
    %reduce_sum3A_396 = arith.constant dense<0.000000e+00> : vector<19x512xf32>
    %reduce_sum3A_397 = vector.multi_reduction <add>, %mul3A_395, %reduce_sum3A_396 [1] : vector<19x16x512xf32> to vector<19x512xf32>
    %swap3A_398 = arith.constant 161 : index
    %swap3A_399 = arith.constant 0 : index
    %swap3A_400 = vector.load %arg16[%swap3A_398, %swap3A_399] : memref<351x512xf32, #tpu.memory_space<vmem>>, vector<19x512xf32>
    tpu.vector_store %arg16[%swap3A_398, %swap3A_399], %reduce_sum3A_397 {strides = array<i32>} : memref<351x512xf32, #tpu.memory_space<vmem>>, vector<19x512xf32>,
    %slice3A_401 = vector.extract_strided_slice %get3A_330 {offsets = [9, 0, 0], sizes = [18, 16, 512], strides = [1, 1, 1]} : vector<27x16x512xf32> to vector<18x16x512xf32>
    %slice3A_402 = vector.extract_strided_slice %get3A_330 {offsets = [8, 0, 0], sizes = [1, 16, 512], strides = [1, 1, 1]} : vector<27x16x512xf32> to vector<1x16x512xf32>
    %mul3A_403 = vector.broadcast %slice3A_402 : vector<1x16x512xf32> to vector<18x16x512xf32>
    %mul3A_404 = arith.mulf %slice3A_401, %mul3A_403 : vector<18x16x512xf32>
    %reduce_sum3A_405 = arith.constant dense<0.000000e+00> : vector<18x512xf32>
    %reduce_sum3A_406 = vector.multi_reduction <add>, %mul3A_404, %reduce_sum3A_405 [1] : vector<18x16x512xf32> to vector<18x512xf32>
    %swap3A_407 = arith.constant 180 : index
    %swap3A_408 = arith.constant 0 : index
    %swap3A_409 = vector.load %arg16[%swap3A_407, %swap3A_408] : memref<351x512xf32, #tpu.memory_space<vmem>>, vector<18x512xf32>
    tpu.vector_store %arg16[%swap3A_407, %swap3A_408], %reduce_sum3A_406 {strides = array<i32>} : memref<351x512xf32, #tpu.memory_space<vmem>>, vector<18x512xf32>,
    %slice3A_410 = vector.extract_strided_slice %get3A_330 {offsets = [10, 0, 0], sizes = [17, 16, 512], strides = [1, 1, 1]} : vector<27x16x512xf32> to vector<17x16x512xf32>
    %slice3A_411 = vector.extract_strided_slice %get3A_330 {offsets = [9, 0, 0], sizes = [1, 16, 512], strides = [1, 1, 1]} : vector<27x16x512xf32> to vector<1x16x512xf32>
    %mul3A_412 = vector.broadcast %slice3A_411 : vector<1x16x512xf32> to vector<17x16x512xf32>
    %mul3A_413 = arith.mulf %slice3A_410, %mul3A_412 : vector<17x16x512xf32>
    %reduce_sum3A_414 = arith.constant dense<0.000000e+00> : vector<17x512xf32>
    %reduce_sum3A_415 = vector.multi_reduction <add>, %mul3A_413, %reduce_sum3A_414 [1] : vector<17x16x512xf32> to vector<17x512xf32>
    %swap3A_416 = arith.constant 198 : index
    %swap3A_417 = arith.constant 0 : index
    %swap3A_418 = vector.load %arg16[%swap3A_416, %swap3A_417] : memref<351x512xf32, #tpu.memory_space<vmem>>, vector<17x512xf32>
    tpu.vector_store %arg16[%swap3A_416, %swap3A_417], %reduce_sum3A_415 {strides = array<i32>} : memref<351x512xf32, #tpu.memory_space<vmem>>, vector<17x512xf32>,
    %slice3A_419 = vector.extract_strided_slice %get3A_330 {offsets = [11, 0, 0], sizes = [16, 16, 512], strides = [1, 1, 1]} : vector<27x16x512xf32> to vector<16x16x512xf32>
    %slice3A_420 = vector.extract_strided_slice %get3A_330 {offsets = [10, 0, 0], sizes = [1, 16, 512], strides = [1, 1, 1]} : vector<27x16x512xf32> to vector<1x16x512xf32>
    %mul3A_421 = vector.broadcast %slice3A_420 : vector<1x16x512xf32> to vector<16x16x512xf32>
    %mul3A_422 = arith.mulf %slice3A_419, %mul3A_421 : vector<16x16x512xf32>
    %reduce_sum3A_423 = arith.constant dense<0.000000e+00> : vector<16x512xf32>
    %reduce_sum3A_424 = vector.multi_reduction <add>, %mul3A_422, %reduce_sum3A_423 [1] : vector<16x16x512xf32> to vector<16x512xf32>
    %swap3A_425 = arith.constant 215 : index
    %swap3A_426 = arith.constant 0 : index
    %swap3A_427 = vector.load %arg16[%swap3A_425, %swap3A_426] : memref<351x512xf32, #tpu.memory_space<vmem>>, vector<16x512xf32>
    tpu.vector_store %arg16[%swap3A_425, %swap3A_426], %reduce_sum3A_424 {strides = array<i32>} : memref<351x512xf32, #tpu.memory_space<vmem>>, vector<16x512xf32>,
    %slice3A_428 = vector.extract_strided_slice %get3A_330 {offsets = [12, 0, 0], sizes = [15, 16, 512], strides = [1, 1, 1]} : vector<27x16x512xf32> to vector<15x16x512xf32>
    %slice3A_429 = vector.extract_strided_slice %get3A_330 {offsets = [11, 0, 0], sizes = [1, 16, 512], strides = [1, 1, 1]} : vector<27x16x512xf32> to vector<1x16x512xf32>
    %mul3A_430 = vector.broadcast %slice3A_429 : vector<1x16x512xf32> to vector<15x16x512xf32>
    %mul3A_431 = arith.mulf %slice3A_428, %mul3A_430 : vector<15x16x512xf32>
    %reduce_sum3A_432 = arith.constant dense<0.000000e+00> : vector<15x512xf32>
    %reduce_sum3A_433 = vector.multi_reduction <add>, %mul3A_431, %reduce_sum3A_432 [1] : vector<15x16x512xf32> to vector<15x512xf32>
    %swap3A_434 = arith.constant 231 : index
    %swap3A_435 = arith.constant 0 : index
    %swap3A_436 = vector.load %arg16[%swap3A_434, %swap3A_435] : memref<351x512xf32, #tpu.memory_space<vmem>>, vector<15x512xf32>
    tpu.vector_store %arg16[%swap3A_434, %swap3A_435], %reduce_sum3A_433 {strides = array<i32>} : memref<351x512xf32, #tpu.memory_space<vmem>>, vector<15x512xf32>,
    %slice3A_437 = vector.extract_strided_slice %get3A_330 {offsets = [13, 0, 0], sizes = [14, 16, 512], strides = [1, 1, 1]} : vector<27x16x512xf32> to vector<14x16x512xf32>
    %slice3A_438 = vector.extract_strided_slice %get3A_330 {offsets = [12, 0, 0], sizes = [1, 16, 512], strides = [1, 1, 1]} : vector<27x16x512xf32> to vector<1x16x512xf32>
    %mul3A_439 = vector.broadcast %slice3A_438 : vector<1x16x512xf32> to vector<14x16x512xf32>
    %mul3A_440 = arith.mulf %slice3A_437, %mul3A_439 : vector<14x16x512xf32>
    %reduce_sum3A_441 = arith.constant dense<0.000000e+00> : vector<14x512xf32>
    %reduce_sum3A_442 = vector.multi_reduction <add>, %mul3A_440, %reduce_sum3A_441 [1] : vector<14x16x512xf32> to vector<14x512xf32>
    %swap3A_443 = arith.constant 246 : index
    %swap3A_444 = arith.constant 0 : index
    %swap3A_445 = vector.load %arg16[%swap3A_443, %swap3A_444] : memref<351x512xf32, #tpu.memory_space<vmem>>, vector<14x512xf32>
    tpu.vector_store %arg16[%swap3A_443, %swap3A_444], %reduce_sum3A_442 {strides = array<i32>} : memref<351x512xf32, #tpu.memory_space<vmem>>, vector<14x512xf32>,
    %slice3A_446 = vector.extract_strided_slice %get3A_330 {offsets = [14, 0, 0], sizes = [13, 16, 512], strides = [1, 1, 1]} : vector<27x16x512xf32> to vector<13x16x512xf32>
    %slice3A_447 = vector.extract_strided_slice %get3A_330 {offsets = [13, 0, 0], sizes = [1, 16, 512], strides = [1, 1, 1]} : vector<27x16x512xf32> to vector<1x16x512xf32>
    %mul3A_448 = vector.broadcast %slice3A_447 : vector<1x16x512xf32> to vector<13x16x512xf32>
    %mul3A_449 = arith.mulf %slice3A_446, %mul3A_448 : vector<13x16x512xf32>
    %reduce_sum3A_450 = arith.constant dense<0.000000e+00> : vector<13x512xf32>
    %reduce_sum3A_451 = vector.multi_reduction <add>, %mul3A_449, %reduce_sum3A_450 [1] : vector<13x16x512xf32> to vector<13x512xf32>
    %swap3A_452 = arith.constant 260 : index
    %swap3A_453 = arith.constant 0 : index
    %swap3A_454 = vector.load %arg16[%swap3A_452, %swap3A_453] : memref<351x512xf32, #tpu.memory_space<vmem>>, vector<13x512xf32>
    tpu.vector_store %arg16[%swap3A_452, %swap3A_453], %reduce_sum3A_451 {strides = array<i32>} : memref<351x512xf32, #tpu.memory_space<vmem>>, vector<13x512xf32>,
    %slice3A_455 = vector.extract_strided_slice %get3A_330 {offsets = [15, 0, 0], sizes = [12, 16, 512], strides = [1, 1, 1]} : vector<27x16x512xf32> to vector<12x16x512xf32>
    %slice3A_456 = vector.extract_strided_slice %get3A_330 {offsets = [14, 0, 0], sizes = [1, 16, 512], strides = [1, 1, 1]} : vector<27x16x512xf32> to vector<1x16x512xf32>
    %mul3A_457 = vector.broadcast %slice3A_456 : vector<1x16x512xf32> to vector<12x16x512xf32>
    %mul3A_458 = arith.mulf %slice3A_455, %mul3A_457 : vector<12x16x512xf32>
    %reduce_sum3A_459 = arith.constant dense<0.000000e+00> : vector<12x512xf32>
    %reduce_sum3A_460 = vector.multi_reduction <add>, %mul3A_458, %reduce_sum3A_459 [1] : vector<12x16x512xf32> to vector<12x512xf32>
    %swap3A_461 = arith.constant 273 : index
    %swap3A_462 = arith.constant 0 : index
    %swap3A_463 = vector.load %arg16[%swap3A_461, %swap3A_462] : memref<351x512xf32, #tpu.memory_space<vmem>>, vector<12x512xf32>
    tpu.vector_store %arg16[%swap3A_461, %swap3A_462], %reduce_sum3A_460 {strides = array<i32>} : memref<351x512xf32, #tpu.memory_space<vmem>>, vector<12x512xf32>,
    %slice3A_464 = vector.extract_strided_slice %get3A_330 {offsets = [16, 0, 0], sizes = [11, 16, 512], strides = [1, 1, 1]} : vector<27x16x512xf32> to vector<11x16x512xf32>
    %slice3A_465 = vector.extract_strided_slice %get3A_330 {offsets = [15, 0, 0], sizes = [1, 16, 512], strides = [1, 1, 1]} : vector<27x16x512xf32> to vector<1x16x512xf32>
    %mul3A_466 = vector.broadcast %slice3A_465 : vector<1x16x512xf32> to vector<11x16x512xf32>
    %mul3A_467 = arith.mulf %slice3A_464, %mul3A_466 : vector<11x16x512xf32>
    %reduce_sum3A_468 = arith.constant dense<0.000000e+00> : vector<11x512xf32>
    %reduce_sum3A_469 = vector.multi_reduction <add>, %mul3A_467, %reduce_sum3A_468 [1] : vector<11x16x512xf32> to vector<11x512xf32>
    %swap3A_470 = arith.constant 285 : index
    %swap3A_471 = arith.constant 0 : index
    %swap3A_472 = vector.load %arg16[%swap3A_470, %swap3A_471] : memref<351x512xf32, #tpu.memory_space<vmem>>, vector<11x512xf32>
    tpu.vector_store %arg16[%swap3A_470, %swap3A_471], %reduce_sum3A_469 {strides = array<i32>} : memref<351x512xf32, #tpu.memory_space<vmem>>, vector<11x512xf32>,
    %slice3A_473 = vector.extract_strided_slice %get3A_330 {offsets = [17, 0, 0], sizes = [10, 16, 512], strides = [1, 1, 1]} : vector<27x16x512xf32> to vector<10x16x512xf32>
    %slice3A_474 = vector.extract_strided_slice %get3A_330 {offsets = [16, 0, 0], sizes = [1, 16, 512], strides = [1, 1, 1]} : vector<27x16x512xf32> to vector<1x16x512xf32>
    %mul3A_475 = vector.broadcast %slice3A_474 : vector<1x16x512xf32> to vector<10x16x512xf32>
    %mul3A_476 = arith.mulf %slice3A_473, %mul3A_475 : vector<10x16x512xf32>
    %reduce_sum3A_477 = arith.constant dense<0.000000e+00> : vector<10x512xf32>
    %reduce_sum3A_478 = vector.multi_reduction <add>, %mul3A_476, %reduce_sum3A_477 [1] : vector<10x16x512xf32> to vector<10x512xf32>
    %swap3A_479 = arith.constant 296 : index
    %swap3A_480 = arith.constant 0 : index
    %swap3A_481 = vector.load %arg16[%swap3A_479, %swap3A_480] : memref<351x512xf32, #tpu.memory_space<vmem>>, vector<10x512xf32>
    tpu.vector_store %arg16[%swap3A_479, %swap3A_480], %reduce_sum3A_478 {strides = array<i32>} : memref<351x512xf32, #tpu.memory_space<vmem>>, vector<10x512xf32>,
    %slice3A_482 = vector.extract_strided_slice %get3A_330 {offsets = [18, 0, 0], sizes = [9, 16, 512], strides = [1, 1, 1]} : vector<27x16x512xf32> to vector<9x16x512xf32>
    %slice3A_483 = vector.extract_strided_slice %get3A_330 {offsets = [17, 0, 0], sizes = [1, 16, 512], strides = [1, 1, 1]} : vector<27x16x512xf32> to vector<1x16x512xf32>
    %mul3A_484 = vector.broadcast %slice3A_483 : vector<1x16x512xf32> to vector<9x16x512xf32>
    %mul3A_485 = arith.mulf %slice3A_482, %mul3A_484 : vector<9x16x512xf32>
    %reduce_sum3A_486 = arith.constant dense<0.000000e+00> : vector<9x512xf32>
    %reduce_sum3A_487 = vector.multi_reduction <add>, %mul3A_485, %reduce_sum3A_486 [1] : vector<9x16x512xf32> to vector<9x512xf32>
    %swap3A_488 = arith.constant 306 : index
    %swap3A_489 = arith.constant 0 : index
    %swap3A_490 = vector.load %arg16[%swap3A_488, %swap3A_489] : memref<351x512xf32, #tpu.memory_space<vmem>>, vector<9x512xf32>
    tpu.vector_store %arg16[%swap3A_488, %swap3A_489], %reduce_sum3A_487 {strides = array<i32>} : memref<351x512xf32, #tpu.memory_space<vmem>>, vector<9x512xf32>,
    %slice3A_491 = vector.extract_strided_slice %get3A_330 {offsets = [19, 0, 0], sizes = [8, 16, 512], strides = [1, 1, 1]} : vector<27x16x512xf32> to vector<8x16x512xf32>
    %slice3A_492 = vector.extract_strided_slice %get3A_330 {offsets = [18, 0, 0], sizes = [1, 16, 512], strides = [1, 1, 1]} : vector<27x16x512xf32> to vector<1x16x512xf32>
    %mul3A_493 = vector.broadcast %slice3A_492 : vector<1x16x512xf32> to vector<8x16x512xf32>
    %mul3A_494 = arith.mulf %slice3A_491, %mul3A_493 : vector<8x16x512xf32>
    %reduce_sum3A_495 = arith.constant dense<0.000000e+00> : vector<8x512xf32>
    %reduce_sum3A_496 = vector.multi_reduction <add>, %mul3A_494, %reduce_sum3A_495 [1] : vector<8x16x512xf32> to vector<8x512xf32>
    %swap3A_497 = arith.constant 315 : index
    %swap3A_498 = arith.constant 0 : index
    %swap3A_499 = vector.load %arg16[%swap3A_497, %swap3A_498] : memref<351x512xf32, #tpu.memory_space<vmem>>, vector<8x512xf32>
    tpu.vector_store %arg16[%swap3A_497, %swap3A_498], %reduce_sum3A_496 {strides = array<i32>} : memref<351x512xf32, #tpu.memory_space<vmem>>, vector<8x512xf32>,
    %slice3A_500 = vector.extract_strided_slice %get3A_330 {offsets = [20, 0, 0], sizes = [7, 16, 512], strides = [1, 1, 1]} : vector<27x16x512xf32> to vector<7x16x512xf32>
    %slice3A_501 = vector.extract_strided_slice %get3A_330 {offsets = [19, 0, 0], sizes = [1, 16, 512], strides = [1, 1, 1]} : vector<27x16x512xf32> to vector<1x16x512xf32>
    %mul3A_502 = vector.broadcast %slice3A_501 : vector<1x16x512xf32> to vector<7x16x512xf32>
    %mul3A_503 = arith.mulf %slice3A_500, %mul3A_502 : vector<7x16x512xf32>
    %reduce_sum3A_504 = arith.constant dense<0.000000e+00> : vector<7x512xf32>
    %reduce_sum3A_505 = vector.multi_reduction <add>, %mul3A_503, %reduce_sum3A_504 [1] : vector<7x16x512xf32> to vector<7x512xf32>
    %swap3A_506 = arith.constant 323 : index
    %swap3A_507 = arith.constant 0 : index
    %swap3A_508 = vector.load %arg16[%swap3A_506, %swap3A_507] : memref<351x512xf32, #tpu.memory_space<vmem>>, vector<7x512xf32>
    tpu.vector_store %arg16[%swap3A_506, %swap3A_507], %reduce_sum3A_505 {strides = array<i32>} : memref<351x512xf32, #tpu.memory_space<vmem>>, vector<7x512xf32>,
    %slice3A_509 = vector.extract_strided_slice %get3A_330 {offsets = [21, 0, 0], sizes = [6, 16, 512], strides = [1, 1, 1]} : vector<27x16x512xf32> to vector<6x16x512xf32>
    %slice3A_510 = vector.extract_strided_slice %get3A_330 {offsets = [20, 0, 0], sizes = [1, 16, 512], strides = [1, 1, 1]} : vector<27x16x512xf32> to vector<1x16x512xf32>
    %mul3A_511 = vector.broadcast %slice3A_510 : vector<1x16x512xf32> to vector<6x16x512xf32>
    %mul3A_512 = arith.mulf %slice3A_509, %mul3A_511 : vector<6x16x512xf32>
    %reduce_sum3A_513 = arith.constant dense<0.000000e+00> : vector<6x512xf32>
    %reduce_sum3A_514 = vector.multi_reduction <add>, %mul3A_512, %reduce_sum3A_513 [1] : vector<6x16x512xf32> to vector<6x512xf32>
    %swap3A_515 = arith.constant 330 : index
    %swap3A_516 = arith.constant 0 : index
    %swap3A_517 = vector.load %arg16[%swap3A_515, %swap3A_516] : memref<351x512xf32, #tpu.memory_space<vmem>>, vector<6x512xf32>
    tpu.vector_store %arg16[%swap3A_515, %swap3A_516], %reduce_sum3A_514 {strides = array<i32>} : memref<351x512xf32, #tpu.memory_space<vmem>>, vector<6x512xf32>,
    %slice3A_518 = vector.extract_strided_slice %get3A_330 {offsets = [22, 0, 0], sizes = [5, 16, 512], strides = [1, 1, 1]} : vector<27x16x512xf32> to vector<5x16x512xf32>
    %slice3A_519 = vector.extract_strided_slice %get3A_330 {offsets = [21, 0, 0], sizes = [1, 16, 512], strides = [1, 1, 1]} : vector<27x16x512xf32> to vector<1x16x512xf32>
    %mul3A_520 = vector.broadcast %slice3A_519 : vector<1x16x512xf32> to vector<5x16x512xf32>
    %mul3A_521 = arith.mulf %slice3A_518, %mul3A_520 : vector<5x16x512xf32>
    %reduce_sum3A_522 = arith.constant dense<0.000000e+00> : vector<5x512xf32>
    %reduce_sum3A_523 = vector.multi_reduction <add>, %mul3A_521, %reduce_sum3A_522 [1] : vector<5x16x512xf32> to vector<5x512xf32>
    %swap3A_524 = arith.constant 336 : index
    %swap3A_525 = arith.constant 0 : index
    %swap3A_526 = vector.load %arg16[%swap3A_524, %swap3A_525] : memref<351x512xf32, #tpu.memory_space<vmem>>, vector<5x512xf32>
    tpu.vector_store %arg16[%swap3A_524, %swap3A_525], %reduce_sum3A_523 {strides = array<i32>} : memref<351x512xf32, #tpu.memory_space<vmem>>, vector<5x512xf32>,
    %slice3A_527 = vector.extract_strided_slice %get3A_330 {offsets = [23, 0, 0], sizes = [4, 16, 512], strides = [1, 1, 1]} : vector<27x16x512xf32> to vector<4x16x512xf32>
    %slice3A_528 = vector.extract_strided_slice %get3A_330 {offsets = [22, 0, 0], sizes = [1, 16, 512], strides = [1, 1, 1]} : vector<27x16x512xf32> to vector<1x16x512xf32>
    %mul3A_529 = vector.broadcast %slice3A_528 : vector<1x16x512xf32> to vector<4x16x512xf32>
    %mul3A_530 = arith.mulf %slice3A_527, %mul3A_529 : vector<4x16x512xf32>
    %reduce_sum3A_531 = arith.constant dense<0.000000e+00> : vector<4x512xf32>
    %reduce_sum3A_532 = vector.multi_reduction <add>, %mul3A_530, %reduce_sum3A_531 [1] : vector<4x16x512xf32> to vector<4x512xf32>
    %swap3A_533 = arith.constant 341 : index
    %swap3A_534 = arith.constant 0 : index
    %swap3A_535 = vector.load %arg16[%swap3A_533, %swap3A_534] : memref<351x512xf32, #tpu.memory_space<vmem>>, vector<4x512xf32>
    tpu.vector_store %arg16[%swap3A_533, %swap3A_534], %reduce_sum3A_532 {strides = array<i32>} : memref<351x512xf32, #tpu.memory_space<vmem>>, vector<4x512xf32>,
    %slice3A_536 = vector.extract_strided_slice %get3A_330 {offsets = [24, 0, 0], sizes = [3, 16, 512], strides = [1, 1, 1]} : vector<27x16x512xf32> to vector<3x16x512xf32>
    %slice3A_537 = vector.extract_strided_slice %get3A_330 {offsets = [23, 0, 0], sizes = [1, 16, 512], strides = [1, 1, 1]} : vector<27x16x512xf32> to vector<1x16x512xf32>
    %mul3A_538 = vector.broadcast %slice3A_537 : vector<1x16x512xf32> to vector<3x16x512xf32>
    %mul3A_539 = arith.mulf %slice3A_536, %mul3A_538 : vector<3x16x512xf32>
    %reduce_sum3A_540 = arith.constant dense<0.000000e+00> : vector<3x512xf32>
    %reduce_sum3A_541 = vector.multi_reduction <add>, %mul3A_539, %reduce_sum3A_540 [1] : vector<3x16x512xf32> to vector<3x512xf32>
    %swap3A_542 = arith.constant 345 : index
    %swap3A_543 = arith.constant 0 : index
    %swap3A_544 = vector.load %arg16[%swap3A_542, %swap3A_543] : memref<351x512xf32, #tpu.memory_space<vmem>>, vector<3x512xf32>
    tpu.vector_store %arg16[%swap3A_542, %swap3A_543], %reduce_sum3A_541 {strides = array<i32>} : memref<351x512xf32, #tpu.memory_space<vmem>>, vector<3x512xf32>,
    %slice3A_545 = vector.extract_strided_slice %get3A_330 {offsets = [25, 0, 0], sizes = [2, 16, 512], strides = [1, 1, 1]} : vector<27x16x512xf32> to vector<2x16x512xf32>
    %slice3A_546 = vector.extract_strided_slice %get3A_330 {offsets = [24, 0, 0], sizes = [1, 16, 512], strides = [1, 1, 1]} : vector<27x16x512xf32> to vector<1x16x512xf32>
    %mul3A_547 = vector.broadcast %slice3A_546 : vector<1x16x512xf32> to vector<2x16x512xf32>
    %mul3A_548 = arith.mulf %slice3A_545, %mul3A_547 : vector<2x16x512xf32>
    %reduce_sum3A_549 = arith.constant dense<0.000000e+00> : vector<2x512xf32>
    %reduce_sum3A_550 = vector.multi_reduction <add>, %mul3A_548, %reduce_sum3A_549 [1] : vector<2x16x512xf32> to vector<2x512xf32>
    %swap3A_551 = arith.constant 348 : index
    %swap3A_552 = arith.constant 0 : index
    %swap3A_553 = vector.load %arg16[%swap3A_551, %swap3A_552] : memref<351x512xf32, #tpu.memory_space<vmem>>, vector<2x512xf32>
    tpu.vector_store %arg16[%swap3A_551, %swap3A_552], %reduce_sum3A_550 {strides = array<i32>} : memref<351x512xf32, #tpu.memory_space<vmem>>, vector<2x512xf32>,
    %slice3A_554 = vector.extract_strided_slice %get3A_330 {offsets = [26, 0, 0], sizes = [1, 16, 512], strides = [1, 1, 1]} : vector<27x16x512xf32> to vector<1x16x512xf32>
    %slice3A_555 = vector.extract_strided_slice %get3A_330 {offsets = [25, 0, 0], sizes = [1, 16, 512], strides = [1, 1, 1]} : vector<27x16x512xf32> to vector<1x16x512xf32>
    %mul3A_556 = arith.mulf %slice3A_554, %slice3A_555 : vector<1x16x512xf32>
    %reduce_sum3A_557 = arith.constant dense<0.000000e+00> : vector<1x512xf32>
    %reduce_sum3A_558 = vector.multi_reduction <add>, %mul3A_556, %reduce_sum3A_557 [1] : vector<1x16x512xf32> to vector<1x512xf32>
    %swap3A_559 = arith.constant 350 : index
    %swap3A_560 = arith.constant 0 : index
    %swap3A_561 = vector.load %arg16[%swap3A_559, %swap3A_560] : memref<351x512xf32, #tpu.memory_space<vmem>>, vector<1x512xf32>
    tpu.vector_store %arg16[%swap3A_559, %swap3A_560], %reduce_sum3A_558 {strides = array<i32>} : memref<351x512xf32, #tpu.memory_space<vmem>>, vector<1x512xf32>,
    %get3A_562 = arith.constant 0 : index
    %get3A_563 = arith.constant 0 : index
    %get3A_564 = vector.load %arg5[%get3A_562, %get3A_563] : memref<64x16xf32, #tpu.memory_space<vmem>>, vector<64x16xf32>
    %dot_general3A = arith.constant dense<0.000000e+00> : vector<64x512xf32>
    %dot_general3A_565 = tpu.matmul %get3A_564, %add3A_10, %dot_general3A {dimension_numbers = #tpu.dot_dimension_numbers<[1], [0], [0], [1], [0, 0, 1, 1], [], []>, transpose_lhs_hint = false} : vector<64x16xf32>, vector<16x512xf32>, vector<64x512xf32> -> vector<64x512xf32>
    %get3A_566 = arith.constant 0 : index
    %get3A_567 = arith.constant 0 : index
    %get3A_568 = vector.load %arg6[%get3A_566, %get3A_567] : memref<64x1xf32, #tpu.memory_space<vmem>>, vector<64x1xf32>
    %add3A_569 = vector.broadcast %get3A_568 : vector<64x1xf32> to vector<64x512xf32>
    %add3A_570 = arith.addf %dot_general3A_565, %add3A_569 : vector<64x512xf32>
    %max3A = arith.constant 0.000000e+00 : f32
    %max3A_571 = vector.broadcast %max3A : f32 to vector<64x512xf32>
    %max3A_572 = arith.maximumf %add3A_570, %max3A_571 : vector<64x512xf32>
    %get3A_573 = arith.constant 0 : index
    %get3A_574 = arith.constant 0 : index
    %get3A_575 = vector.load %arg7[%get3A_573, %get3A_574] : memref<32x64xf32, #tpu.memory_space<vmem>>, vector<32x64xf32>
    %dot_general3A_576 = arith.constant dense<0.000000e+00> : vector<32x512xf32>
    %dot_general3A_577 = tpu.matmul %get3A_575, %max3A_572, %dot_general3A_576 {dimension_numbers = #tpu.dot_dimension_numbers<[1], [0], [0], [1], [0, 0, 1, 1], [], []>, transpose_lhs_hint = false} : vector<32x64xf32>, vector<64x512xf32>, vector<32x512xf32> -> vector<32x512xf32>
    %get3A_578 = arith.constant 0 : index
    %get3A_579 = arith.constant 0 : index
    %get3A_580 = vector.load %arg8[%get3A_578, %get3A_579] : memref<32x1xf32, #tpu.memory_space<vmem>>, vector<32x1xf32>
    %add3A_581 = vector.broadcast %get3A_580 : vector<32x1xf32> to vector<32x512xf32>
    %add3A_582 = arith.addf %dot_general3A_577, %add3A_581 : vector<32x512xf32>
    %max3A_583 = arith.constant 0.000000e+00 : f32
    %max3A_584 = vector.broadcast %max3A_583 : f32 to vector<32x512xf32>
    %max3A_585 = arith.maximumf %add3A_582, %max3A_584 : vector<32x512xf32>
    %get3A_586 = arith.constant 0 : index
    %get3A_587 = arith.constant 0 : index
    %get3A_588 = vector.load %arg9[%get3A_586, %get3A_587] : memref<32x351xf32, #tpu.memory_space<vmem>>, vector<32x351xf32>
    %get3A_589 = arith.constant 0 : index
    %get3A_590 = arith.constant 0 : index
    %get3A_591 = vector.load %arg16[%get3A_589, %get3A_590] : memref<351x512xf32, #tpu.memory_space<vmem>>, vector<351x512xf32>
    %dot_general3A_592 = arith.constant dense<0.000000e+00> : vector<32x512xf32>
    %dot_general3A_593 = tpu.matmul %get3A_588, %get3A_591, %dot_general3A_592 {dimension_numbers = #tpu.dot_dimension_numbers<[1], [0], [0], [1], [0, 0, 1, 1], [], []>, transpose_lhs_hint = false} : vector<32x351xf32>, vector<351x512xf32>, vector<32x512xf32> -> vector<32x512xf32>
    %get3A_594 = arith.constant 0 : index
    %get3A_595 = arith.constant 0 : index
    %get3A_596 = vector.load %arg10[%get3A_594, %get3A_595] : memref<32x32xf32, #tpu.memory_space<vmem>>, vector<32x32xf32>
    %dot_general3A_597 = arith.constant dense<0.000000e+00> : vector<32x512xf32>
    %dot_general3A_598 = tpu.matmul %get3A_596, %max3A_585, %dot_general3A_597 {dimension_numbers = #tpu.dot_dimension_numbers<[1], [0], [0], [1], [0, 0, 1, 1], [], []>, transpose_lhs_hint = false} : vector<32x32xf32>, vector<32x512xf32>, vector<32x512xf32> -> vector<32x512xf32>
    %add3A_599 = arith.addf %dot_general3A_593, %dot_general3A_598 : vector<32x512xf32>
    %get3A_600 = arith.constant 0 : index
    %get3A_601 = arith.constant 0 : index
    %get3A_602 = vector.load %arg11[%get3A_600, %get3A_601] : memref<32x1xf32, #tpu.memory_space<vmem>>, vector<32x1xf32>
    %add3A_603 = vector.broadcast %get3A_602 : vector<32x1xf32> to vector<32x512xf32>
    %add3A_604 = arith.addf %add3A_599, %add3A_603 : vector<32x512xf32>
    %max3A_605 = arith.constant 0.000000e+00 : f32
    %max3A_606 = vector.broadcast %max3A_605 : f32 to vector<32x512xf32>
    %max3A_607 = arith.maximumf %add3A_604, %max3A_606 : vector<32x512xf32>
    %get3A_608 = arith.constant 0 : index
    %get3A_609 = arith.constant 0 : index
    %get3A_610 = vector.load %arg12[%get3A_608, %get3A_609] : memref<1x32xf32, #tpu.memory_space<vmem>>, vector<1x32xf32>
    %dot_general3A_611 = arith.constant dense<0.000000e+00> : vector<1x512xf32>
    %dot_general3A_612 = tpu.matmul %get3A_610, %max3A_607, %dot_general3A_611 {dimension_numbers = #tpu.dot_dimension_numbers<[1], [0], [0], [1], [0, 0, 1, 1], [], []>, transpose_lhs_hint = false} : vector<1x32xf32>, vector<32x512xf32>, vector<1x512xf32> -> vector<1x512xf32>
    %get3A_613 = arith.constant 0 : index
    %get3A_614 = arith.constant 0 : index
    %get3A_615 = vector.load %arg13[%get3A_613, %get3A_614] : memref<1x1xf32, #tpu.memory_space<vmem>>, vector<1x1xf32>
    %add3A_616 = vector.broadcast %get3A_615 : vector<1x1xf32> to vector<1x512xf32>
    %add3A_617 = arith.addf %dot_general3A_612, %add3A_616 : vector<1x512xf32>
    %swap3A_618 = arith.constant 0 : index
    %swap3A_619 = arith.constant 0 : index
    %swap3A_620 = vector.load %arg14[%swap3A_618, %swap3A_619] : memref<1x512xf32, #tpu.memory_space<vmem>>, vector<1x512xf32>
    tpu.vector_store %arg14[%swap3A_618, %swap3A_619], %add3A_617 {strides = array<i32>} : memref<1x512xf32, #tpu.memory_space<vmem>>, vector<1x512xf32>,
    return
  }
  func.func @transform_0(%arg0: i32) -> (i32, i32, i32) {
    %c0_i32 = arith.constant 0 : i32
    %c0_i32_0 = arith.constant 0 : i32
    %c0_i32_1 = arith.constant 0 : i32
    return %c0_i32, %arg0, %c0_i32_0 : i32, i32, i32
  }
  func.func @transform_1(%arg0: i32) -> (i32, i32) {
    %c0_i32 = arith.constant 0 : i32
    %c0_i32_0 = arith.constant 0 : i32
    return %c0_i32, %arg0 : i32, i32
  }
  func.func @transform_2(%arg0: i32) -> (i32, i32) {
    %c0_i32 = arith.constant 0 : i32
    %c0_i32_0 = arith.constant 0 : i32
    %c0_i32_1 = arith.constant 0 : i32
    return %c0_i32, %c0_i32_0 : i32, i32
  }
  func.func @transform_3(%arg0: i32) -> (i32, i32) {
    %c0_i32 = arith.constant 0 : i32
    %c0_i32_0 = arith.constant 0 : i32
    %c0_i32_1 = arith.constant 0 : i32
    return %c0_i32, %c0_i32_0 : i32, i32
  }
  func.func @transform_4(%arg0: i32) -> (i32, i32) {
    %c0_i32 = arith.constant 0 : i32
    %c0_i32_0 = arith.constant 0 : i32
    %c0_i32_1 = arith.constant 0 : i32
    return %c0_i32, %c0_i32_0 : i32, i32
  }
  func.func @transform_5(%arg0: i32) -> (i32, i32) {
    %c0_i32 = arith.constant 0 : i32
    %c0_i32_0 = arith.constant 0 : i32
    %c0_i32_1 = arith.constant 0 : i32
    return %c0_i32, %c0_i32_0 : i32, i32
  }
  func.func @transform_6(%arg0: i32) -> (i32, i32) {
    %c0_i32 = arith.constant 0 : i32
    %c0_i32_0 = arith.constant 0 : i32
    %c0_i32_1 = arith.constant 0 : i32
    return %c0_i32, %c0_i32_0 : i32, i32
  }
  func.func @transform_7(%arg0: i32) -> (i32, i32) {
    %c0_i32 = arith.constant 0 : i32
    %c0_i32_0 = arith.constant 0 : i32
    %c0_i32_1 = arith.constant 0 : i32
    return %c0_i32, %c0_i32_0 : i32, i32
  }
  func.func @transform_8(%arg0: i32) -> (i32, i32) {
    %c0_i32 = arith.constant 0 : i32
    %c0_i32_0 = arith.constant 0 : i32
    %c0_i32_1 = arith.constant 0 : i32
    return %c0_i32, %c0_i32_0 : i32, i32
  }
  func.func @transform_9(%arg0: i32) -> (i32, i32) {
    %c0_i32 = arith.constant 0 : i32
    %c0_i32_0 = arith.constant 0 : i32
    %c0_i32_1 = arith.constant 0 : i32
    return %c0_i32, %c0_i32_0 : i32, i32
  }
  func.func @transform_10(%arg0: i32) -> (i32, i32) {
    %c0_i32 = arith.constant 0 : i32
    %c0_i32_0 = arith.constant 0 : i32
    %c0_i32_1 = arith.constant 0 : i32
    return %c0_i32, %c0_i32_0 : i32, i32
  }
  func.func @transform_11(%arg0: i32) -> (i32, i32) {
    %c0_i32 = arith.constant 0 : i32
    %c0_i32_0 = arith.constant 0 : i32
    %c0_i32_1 = arith.constant 0 : i32
    return %c0_i32, %c0_i32_0 : i32, i32
  }
  func.func @transform_12(%arg0: i32) -> (i32, i32) {
    %c0_i32 = arith.constant 0 : i32
    %c0_i32_0 = arith.constant 0 : i32
    %c0_i32_1 = arith.constant 0 : i32
    return %c0_i32, %c0_i32_0 : i32, i32
  }
  func.func @transform_13(%arg0: i32) -> (i32, i32) {
    %c0_i32 = arith.constant 0 : i32
    %c0_i32_0 = arith.constant 0 : i32
    return %c0_i32, %arg0 : i32, i32
  }
}

</mosaic_0001>

<sc_bundles>
// kernel: kernel.4.cloned.1.call-start
scs
__scs_entry_jumppad:
0x0: {  	(pc) =	sbr.rel $0x88, $3  }
0x1: {  	(tag) =	ssettag $0x0;
	lr =	simm.s32 $0x1  }
0x2: {  	[smem:$0x3F94] =	sst lr;
	_ =	strace $0xD0000000  }
0x3: {  	_ = 	snop  }
0x4: {  	_ = 	snop  }
0x5: {  	_ = 	snop  }
0x6: {  	_ = 	snop  }
0x7: {  	_ = 	snop  }
__scs_overlays_trampoline_lowered:
0x8: {  	[smem:$0x3FA3] =	sst s0  }
0x9: {  	[smem:$0x3FA4] =	sst s1  }
0xa: {  	[smem:$0x3FA5] =	sst s2  }
0xb: {  	[smem:$0x3FA6] =	sst s3  }
0xc: {  	[smem:$0x3FA7] =	sst s4  }
0xd: {  	[smem:$0x3FA8] =	sst s5  }
0xe: {  	[smem:$0x3FA9] =	sst s6  }
0xf: {  	[smem:$0x3FAA] =	sst s7  }
0x10: {  	[smem:$0x3FAB] =	sst s8  }
0x11: {  	[smem:$0x3FAC] =	sst s9;
	s0 =	simm.s32 @!p0 $0x0  }
0x12: {  	s1 =	sld [smem:$0x3F92];
	s0 =	simm.s32 @p0 $0x1  }
0x13: {  	[smem:$0x3FAD] =	sst s0;
	s0 =	simm.s32 @!p1 $0x0  }
0x14: {  	s2 =	sld [smem:$0x3F91];
	s0 =	simm.s32 @p1 $0x1  }
0x15: {  	[smem:$0x3FAE] =	sst s0;
	s0 =	simm.s32 @!p2 $0x0  }
0x16: {  	s3 =	sld [smem:$0x3FDB];
	s0 =	simm.s32 @p2 $0x1  }
0x17: {  	s4 =	simm.s32 $0x1BF5;
	[smem:$0x3FB0] =	sst s0  }
0x18: {  	s0 =	sld [smem:$0x3F93];
	_ =	swait.ge [sflag:s4], $0x0  }
0x19: {  	s7 =	sld [smem:$0x3F94]  }
0x1a: {  	s8 =	sadd.s32 $0xFFFFE003, lr  }
0x1b: {  	s9 =	sadd.s32 $0xFFFFFEF7, lr;
	s5 =	simm.s32 $0xFFFFFFFF;
	p2 =	slt.u32 s8, $0xFFFFF086  }
0x1c: {  	p1 =	slt.u32 s9, $0xF7A;
	s5 =	simm.s32 @!p2 $0x0  }
0x1d: {  	s5 =	simm.s32 @p1 $0x1;
	p0 =	seq.s32 s7, s2  }
0x1e: {  	s7 =	smul.u32 @!p0 $0xF7A, s2;
	p2 =	seq.s32 @!p0 s5, $0x0  }
0x1f: {  	s9 =	smul.u32 $0xF7A, s1;
	s8 =	simm.s32 @!p0 $0x1BF5;
	p2 =	por !p2, p0  }
0x20: {  	[sflag:s8] =	ssyncset.s32 @!p0 $0xFFFFF086;
	s6 =	sadd.s32 @!p0 s3, s7;
	s7 =	simm.s32 @!p0 $0x108  }
0x21: {  	s3 =	sadd.s32 s3, s9;
	s6 =	sadd.s32 @!p0 $0x88, s6;
	s7 =	simm.s32 @p2 $0x1082  }
0x22: {  	[simem:s7], [sflag:s8] =	dma.local @!p0 [hbm:s6], $0xF7A  }
0x23: {  	s9 =	sor.u32 $0xD0000000, s2;
	s6 =	simm.s32 $0x108;
	_ =	swait.ge @!p0 [sflag:s8], $0x0  }
0x24: {  	s3 =	sadd.s32 $0x88, s3;
	s6 =	simm.s32 @!p1 $0x1082;
	[sflag:s4] =	ssyncset.s32 $0xFFFFF086  }
0x25: {  	[simem:s6], [sflag:s4] =	dma.local [hbm:s3], $0xF7A  }
0x26: {  	[smem:$0x3F94] =	sst s1;
	(tag) =	ssettag s2;
	_ =	strace s9  }
0x27: {  	s1 =	sld [smem:$0x3FA4]  }
0x28: {  	s2 =	sld [smem:$0x3FA5]  }
0x29: {  	s4 =	sld [smem:$0x3FA7]  }
0x2a: {  	p0 =	seq.s32 s5, $0x0;
	s5 =	sld [smem:$0x3FA8]  }
0x2b: {  	s6 =	sld [smem:$0x3FA9]  }
0x2c: {  	s7 =	sld [smem:$0x3FAA]  }
0x2d: {  	s3 =	simm.s32 $0x108;
	s8 =	sld [smem:$0x3FAB]  }
0x2e: {  	s3 =	simm.s32 @!p0 $0x1082;
	s9 =	sld [smem:$0x3FAC]  }
0x2f: {  	lr =	sadd.s32 s0, s3;
	s0 =	sld [smem:$0x3FA3]  }
0x30: {  	s3 =	sld [smem:$0x3FA6]  }
0x31: {  	[smem:$0x3FAF] =	sst s10  }
0x32: {  	s10 =	sld [smem:$0x3FAD];
	_ =	sdelay $0x3  }
0x33: {  	p0 =	seq.s32 s10, $0x1;
	s10 =	sld [smem:$0x3FAF];
	_ =	sdelay $0x3  }
0x34: {  	[smem:$0x3FAF] =	sst s10  }
0x35: {  	s10 =	sld [smem:$0x3FAE];
	_ =	sdelay $0x3  }
0x36: {  	p1 =	seq.s32 s10, $0x1;
	s10 =	sld [smem:$0x3FAF];
	_ =	sdelay $0x3  }
0x37: {  	[smem:$0x3FAF] =	sst s10  }
0x38: {  	s10 =	sld [smem:$0x3FB0]  }
0x39: {  	_ = 	snop;
	(pc) =	sbr.ind lr, $3  }
0x3a: {  	_ = 	snop  }
0x3b: {  	_ = 	snop  }
0x3c: {  	p2 =	seq.s32 s10, $0x1;
	s10 =	sld [smem:$0x3FAF]  }
0x3d: {  	_ =	shalt  }
0x3e: {  	_ =	shalt  }
0x3f: {  	_ =	shalt  }
0x40: {  	_ =	shalt  }
0x41: {  	_ =	shalt  }
0x42: {  	_ =	shalt  }
0x43: {  	_ =	shalt  }
0x44: {  	_ =	shalt  }
0x45: {  	_ =	shalt  }
0x46: {  	_ =	shalt  }
0x47: {  	_ =	shalt  }
0x48: {  	_ =	shalt  }
0x49: {  	_ =	shalt  }
0x4a: {  	_ =	shalt  }
0x4b: {  	_ =	shalt  }
0x4c: {  	_ =	shalt  }
0x4d: {  	_ =	shalt  }
0x4e: {  	_ =	shalt  }
0x4f: {  	_ =	shalt  }
0x50: {  	_ =	shalt  }
0x51: {  	_ =	shalt  }
0x52: {  	_ =	shalt  }
0x53: {  	_ =	shalt  }
0x54: {  	_ =	shalt  }
0x55: {  	_ =	shalt  }
0x56: {  	_ =	shalt  }
0x57: {  	_ =	shalt  }
0x58: {  	_ =	shalt  }
0x59: {  	_ =	shalt  }
0x5a: {  	_ =	shalt  }
0x5b: {  	_ =	shalt  }
0x5c: {  	_ =	shalt  }
0x5d: {  	_ =	shalt  }
0x5e: {  	_ =	shalt  }
0x5f: {  	_ =	shalt  }
0x60: {  	_ =	shalt  }
0x61: {  	_ =	shalt  }
0x62: {  	_ =	shalt  }
0x63: {  	_ =	shalt  }
0x64: {  	_ =	shalt  }
0x65: {  	_ =	shalt  }
0x66: {  	_ =	shalt  }
0x67: {  	_ =	shalt  }
0x68: {  	_ =	shalt  }
0x69: {  	_ =	shalt  }
0x6a: {  	_ =	shalt  }
0x6b: {  	_ =	shalt  }
0x6c: {  	_ =	shalt  }
0x6d: {  	_ =	shalt  }
0x6e: {  	_ =	shalt  }
0x6f: {  	_ =	shalt  }
0x70: {  	_ =	shalt  }
0x71: {  	_ =	shalt  }
0x72: {  	_ =	shalt  }
0x73: {  	_ =	shalt  }
0x74: {  	_ =	shalt  }
0x75: {  	_ =	shalt  }
0x76: {  	_ =	shalt  }
0x77: {  	_ =	shalt  }
0x78: {  	_ =	shalt  }
0x79: {  	_ =	shalt  }
0x7a: {  	_ =	shalt  }
0x7b: {  	_ =	shalt  }
0x7c: {  	_ =	shalt  }
0x7d: {  	_ =	shalt  }
0x7e: {  	_ =	shalt  }
0x7f: {  	_ =	shalt  }
0x80: {  	_ =	shalt  }
0x81: {  	_ =	shalt  }
0x82: {  	_ =	shalt  }
0x83: {  	_ =	shalt  }
0x84: {  	_ =	shalt  }
0x85: {  	_ =	shalt  }
0x86: {  	_ =	shalt  }
0x87: {  	_ =	shalt  }
.Lfunc_end0:
.L_simem_size_0:
called_computation_lowered:
.L_overlay_start_0:
0x88: {  	s2 =	sld [smem:$0x3FD9]  }
0x89: {  	s3 =	sld [smem:$0x3FFE];
	_ =	sdelay $0x1  }
0x8a: {  	s1 =	srdreg.scid  }
0x8b: {  	s0 =	sand.u32 $0x1, s1  }
0x8c: {  	s16 =	sshll.u32 s0, $0xA;
	s2 =	sadd.s32 s3, s2  }
0x8d: {  	s2 =	sadd.s32 s2, s16  }
0x8e: {  	[smem:$0x3FBB] =	sst s2  }
0x8f: {  	_ = 	snop  }
0x90: {  	(tm) =	ssettm $0x1  }
0x91: {  	s17 =	sld [smem:$0x3FFB];
	_ =	sdelay $0x3  }
0x92: {  	_ =	strace s17  }
0x93: {  	s2 =	sld [smem:$0x3FFC];
	_ =	sdelay $0x3  }
0x94: {  	_ =	strace s2  }
0x95: {  	s2 =	sld [smem:$0x3FFD];
	_ =	sdelay $0x3  }
0x96: {  	_ =	strace s2  }
0x97: {  	_ =	strace $0x8FFFFFFF  }
0x98: {  	s18 =	sld [smem:$0x3FDB];
	_ =	sdelay $0x1  }
0x99: {  	s19 =	simm.s32 $_scs_section_size  }
0x9a: {  	s4 =	simm.s32 $_size__tile_overlayer_lowered;
	s5 =	simm.s32 $_tile_overlayer_lowered  }
0x9b: {  	s22 =	simm.s32 $0x1BFF;
	s21 =	sshll.u32 s5, $0x1;
	s2 =	sadd.s32 s19, s18  }
0x9c: {  	s6 =	simm.s32 $0x0;
	s20 =	sshll.u32 s4, $0x1;
	s4 =	sadd.s32 s21, s2  }
0x9d: {  	[timem:s6], [sflag:s22] =	dma.local [hbm:s4], s20  }
0x9e: {  	_ =	swait.ge [sflag:s22], s20  }
0x9f: {  	s3 =	ssub.s32 $0x0, s20;
	[sflag:s22] =	ssyncset.done $0x0  }
0xa0: {  	[sflag:s22] =	ssyncadd.s32 s3;
	_ =	sdelay $0x1  }
0xa1: {  	s23 =	simm.s32 $0x1B8B  }
0xa2: {  	_ =	swait.ge [sflag:s23], $0x1  }
0xa3: {  	[sflag:s23] =	ssyncset.done $0x0  }
0xa4: {  	s25 =	simm.s32 $0x1B8E;
	s24 =	sld [smem:$0x3FFE];
	[sflag:s23] =	ssyncadd.s32 $0xFFFFFFFF  }
0xa5: {  	s26 =	simm.s32 $execute0_lowered;
	[smem:$0x3FD2] =	sst s25  }
0xa6: {  	s4 =	sshll.u32 s26, $0x1;
	_ =	strace $0x80000046;
	[dreg:$0x1] =	wrdreg $0xFFFFFFFF  }
0xa7: {  	s28 =	simm.s32 $_size_execute0_lowered;
	s2 =	sadd.s32 s2, s4;
	[dreg:$0x0] =	wrdreg $0x0  }
0xa8: {  	s4 =	sshll.u32 s28, $0x1;
	[dreg:$0x2] =	wrdreg s2  }
0xa9: {  	[dreg:$0x3] =	wrdreg s4  }
0xaa: {  	[dreg:$0x4] =	wrdreg $0xC0  }
0xab: {  	_ =	task [dreg:s6], $0x5FFFF  }
0xac: {  	[dreg:$0x1] =	wrdreg $0xFFFFFFFF  }
0xad: {  	[dreg:$0x0] =	wrdreg $0x60  }
0xae: {  	[dreg:$0x2] =	wrdreg s24  }
0xaf: {  	[dreg:$0x3] =	wrdreg $0x9  }
0xb0: {  	_ =	task.clear_ibuf [dreg:s6], $0x4FFFF;
	_ =	strace $0x90000046  }
0xb1: {  	s29 =	simm.s32 $0x9;
	_ =	strace $0x80000048  }
0xb2: {  	_ =	swait.ge [sflag:s29], $0x1  }
0xb3: {  	[sflag:s29] =	ssyncadd.s32 $0xFFFFFFFF  }
0xb4: {  	_ =	strace $0x90000048  }
0xb5: {  	_ =	sfence  }
0xb6: {  	s30 =	sld [smem:$0x0];
	_ =	sdelay $0x2  }
0xb7: {  	s31 =	sshll.u32 s1, $0xD;
	s1 =	sshrl.u32 s1, $0x2  }
0xb8: {  	s3 =	sand.u32 $0x4000, s31;
	s1 =	sadd.s32 s1, s30  }
0xb9: {  	s0 =	sor.u32 s3, s0;
	s1 =	sshll.u32 s1, $0x11  }
0xba: {  	s0 =	sor.u32 s1, s0  }
0xbb: {  	s0 =	sadd.s32 $0x8F2B, s0  }
0xbc: {  	[sflag:s0] =	ssyncadd.remote.s32 $0x1  }
0xbd: {  	_ =	sfence.sel $0xFFFF  }
0xbe: {  	[dreg:$0x0] =	wrdreg $0xFFFFFFFF;
	(pc) =	sbr.abs _section_cstart, $3  }
0xbf: {  	[dreg:$0x1] =	wrdreg $0xFFFFFFFF  }
0xc0: {  	_ =	task.clear_ibuf [dreg:s6], $0x2FFFF;
	_ =	strace $0x9FFFFFFF  }
0xc1: {  	(tm) =	ssettm $0x7FFFFFFF  }
tec
execute0_lowered:
.L_overlay_start_1:
0x0: {  	(tag) =	ssettag $0x1  }
0x1: {  	s1 =	srdreg.scid  }
0x2: {  	s0 =	stileid.u32;
	s7 =	rddreg [dreg:$0x0];
	s2 =	simm.s32 $0x0  }
0x3: {  	s11 =	simm.s32 $0x3C00;
	s12 =	simm.s32 $0x4400;
	s13 =	simm.s32 $0x4C00  }
0x4: {  	s14 =	simm.s32 $0x5400;
	s15 =	simm.s32 $0x5C00;
	s16 =	simm.s32 $0x6400  }
0x5: {  	s17 =	simm.s32 $0x6C00;
	s18 =	simm.s32 $0x1;
	s6 =	smul.u32 $0x68000, s0  }
0x6: {  	s19 =	simm.s32 $0x0;
	s4 =	sand.u32 $0x1, s1;
	s9 =	smul.u32 $0x6800, s0  }
0x7: {  	s21 =	sshll.u32 s0, $0x1;
	[smem:$0x7FF] =	sst s2;
	s8 =	smul.u32 $0x34000, s4  }
0x8: {  	s3 =	sadd.s32 $0x27AE000, s7;
	s1 =	sor.u32 s4, s21;
	s10 =	smul.u32 $0x3400, s4  }
0x9: {  	s23 =	sadd.s32 $0xEC00, s7;
	s4 =	ssub.s32 $0x2, s4;
	s5 =	smul.u32 $0x3400, s1  }
0xa: {  	s1 =	rddreg [dreg:$0x1];
	_ =	strace $0x80000047;
	s26 =	sshrl.u32 s4, $0x1  }
0xb: {  	s6 =	sadd.s32 s8, s6;
	s22 =	sadd.s32 s10, s9;
	s9 =	simm.s32 $0x80  }
0xc: {  	s10 =	simm.s32 $0x3400;
	s6 =	sshrl.u32 s6, $0x3;
	s8 =	sshll.u32 s22, $0x1  }
0xd: {  	s5 =	sshrl.u32 s5, $0x3;
	s6 =	sadd.s32 s6, s23;
	s24 =	sadd.s32 s8, s23  }
0xe: {  	s5 =	sadd.s32 s5, s7;
	[dreg:$0x2] =	wrdreg s6;
	s25 =	sadd.s32 $0x600, s24  }
0xf: {  	s8 =	ssub.s32 s4, s26;
	s28 =	sadd.s32 $0x500, s24;
	[dreg:$0x3] =	wrdreg s25  }
0x10: {  	s29 =	sadd.s32 $0x400, s24;
	s4 =	sadd.s32 $0x1C00, s5;
	[dreg:$0x4] =	wrdreg s28  }
0x11: {  	s30 =	sadd.s32 $0x300, s24;
	s5 =	smax.u32 s8, $0x1;
	[dreg:$0x5] =	wrdreg s29  }
0x12: {  	s31 =	sadd.s32 $0x200, s24;
	s6 =	sadd.s32 $0x100, s24;
	[dreg:$0x6] =	wrdreg s30  }
0x13: {  	s7 =	sadd.s32 $0x700, s24;
	s8 =	simm.s32 $0x2;
	[dreg:$0x7] =	wrdreg s31  }
.LBB2_1:
0x14: {  	[tilespmem:s2], [sflag:$0x2] =	stream.linear.gather [hbm4b:s4+s2], $0x3400, $0x38;
	[tilespmem:$0x7400] =	vst v63  }
0x15: {  	_ =	swait.ge [sflag:s8], $0x3400  }
0x16: {  	[sflag:s8] =	ssyncset.done $0x0  }
0x17: {  	[sflag:s8] =	ssyncadd.s32 $0xFFFFCC00  }
0x18: {  	[tilespmem:s10], [sflag:$0x1] =	stream.indirect.gather [hbm4b:s3+s9], $0x10, s2, s9, $0xb8;
	[tilespmem:$0x7400] =	vst v63  }
0x19: {  	s20 =	simm.s32 $0x80  }
0x1a: {  	[tilespmem:s11], [sflag:$0x1] =	stream.indirect.gather [hbm4b:s3+s9], $0x10, s20, s9, $0xb8;
	[tilespmem:$0x7400] =	vst v63  }
0x1b: {  	s28 =	simm.s32 $0x100  }
0x1c: {  	[tilespmem:s12], [sflag:$0x1] =	stream.indirect.gather [hbm4b:s3+s9], $0x10, s28, s9, $0xb8;
	[tilespmem:$0x7400] =	vst v63  }
0x1d: {  	s29 =	simm.s32 $0x180  }
0x1e: {  	[tilespmem:s13], [sflag:$0x1] =	stream.indirect.gather [hbm4b:s3+s9], $0x10, s29, s9, $0xb8;
	[tilespmem:$0x7400] =	vst v63  }
0x1f: {  	s30 =	simm.s32 $0x200  }
0x20: {  	[tilespmem:s14], [sflag:$0x1] =	stream.indirect.gather [hbm4b:s3+s9], $0x10, s30, s9, $0xb8;
	[tilespmem:$0x7400] =	vst v63  }
0x21: {  	s31 =	simm.s32 $0x280  }
0x22: {  	[tilespmem:s15], [sflag:$0x1] =	stream.indirect.gather [hbm4b:s3+s9], $0x10, s31, s9, $0xb8;
	[tilespmem:$0x7400] =	vst v63  }
0x23: {  	s21 =	simm.s32 $0x300  }
0x24: {  	[tilespmem:s16], [sflag:$0x1] =	stream.indirect.gather [hbm4b:s3+s9], $0x10, s21, s9, $0xb8;
	[tilespmem:$0x7400] =	vst v63  }
0x25: {  	s22 =	simm.s32 $0x380  }
0x26: {  	[tilespmem:s17], [sflag:$0x1] =	stream.indirect.gather [hbm4b:s3+s9], $0x10, s22, s9, $0xb8;
	[tilespmem:$0x7400] =	vst v63  }
0x27: {  	_ =	swait.ge [sflag:s18], $0x800  }
0x28: {  	[sflag:s18] =	ssyncset.done $0x0  }
0x29: {  	[sflag:s18] =	ssyncadd.s32 $0xFFFFF800  }
0x2a: {  	_ =	swait.ge [sflag:s18], $0x800  }
0x2b: {  	[sflag:s18] =	ssyncset.done $0x0  }
0x2c: {  	[sflag:s18] =	ssyncadd.s32 $0xFFFFF800  }
0x2d: {  	_ =	swait.ge [sflag:s18], $0x800  }
0x2e: {  	[sflag:s18] =	ssyncset.done $0x0  }
0x2f: {  	[sflag:s18] =	ssyncadd.s32 $0xFFFFF800  }
0x30: {  	_ =	swait.ge [sflag:s18], $0x800  }
0x31: {  	[sflag:s18] =	ssyncset.done $0x0  }
0x32: {  	[sflag:s18] =	ssyncadd.s32 $0xFFFFF800  }
0x33: {  	_ =	swait.ge [sflag:s18], $0x800  }
0x34: {  	[sflag:s18] =	ssyncset.done $0x0  }
0x35: {  	[sflag:s18] =	ssyncadd.s32 $0xFFFFF800  }
0x36: {  	_ =	swait.ge [sflag:s18], $0x800  }
0x37: {  	[sflag:s18] =	ssyncset.done $0x0  }
0x38: {  	[sflag:s18] =	ssyncadd.s32 $0xFFFFF800  }
0x39: {  	_ =	swait.ge [sflag:s18], $0x800  }
0x3a: {  	[sflag:s18] =	ssyncset.done $0x0  }
0x3b: {  	[sflag:s18] =	ssyncadd.s32 $0xFFFFF800  }
0x3c: {  	_ =	swait.ge [sflag:s18], $0x800  }
0x3d: {  	s23 =	rddreg [dreg:$0x2];
	[sflag:s18] =	ssyncset.done $0x0  }
0x3e: {  	[sflag:s18] =	ssyncadd.s32 $0xFFFFF800;
	s20 =	sadd.s32 $0x0, s23  }
0x3f: {  	[hbm4b:s20+s2] =	stream.linear.scatter [tilespmem:s10], [sflag:$0x2], $0x800, $0x38;
	[tilespmem:$0x7400] =	vst v63  }
0x40: {  	_ =	swait.ge [sflag:s8], $0x800  }
0x41: {  	[sflag:s8] =	ssyncset.done $0x0  }
0x42: {  	s24 =	sadd.s32 $0x0, s6;
	[sflag:s8] =	ssyncadd.s32 $0xFFFFF800  }
0x43: {  	[hbm4b:s24+s2] =	stream.linear.scatter [tilespmem:s11], [sflag:$0x2], $0x800, $0x38;
	[tilespmem:$0x7400] =	vst v63  }
0x44: {  	_ =	swait.ge [sflag:s8], $0x800  }
0x45: {  	s25 =	rddreg [dreg:$0x7];
	[sflag:s8] =	ssyncset.done $0x0  }
0x46: {  	[sflag:s8] =	ssyncadd.s32 $0xFFFFF800;
	s20 =	sadd.s32 $0x0, s25  }
0x47: {  	[hbm4b:s20+s2] =	stream.linear.scatter [tilespmem:s12], [sflag:$0x2], $0x800, $0x38;
	[tilespmem:$0x7400] =	vst v63  }
0x48: {  	_ =	swait.ge [sflag:s8], $0x800  }
0x49: {  	s26 =	rddreg [dreg:$0x6];
	[sflag:s8] =	ssyncset.done $0x0  }
0x4a: {  	[sflag:s8] =	ssyncadd.s32 $0xFFFFF800;
	s20 =	sadd.s32 $0x0, s26  }
0x4b: {  	[hbm4b:s20+s2] =	stream.linear.scatter [tilespmem:s13], [sflag:$0x2], $0x800, $0x38;
	[tilespmem:$0x7400] =	vst v63  }
0x4c: {  	_ =	swait.ge [sflag:s8], $0x800  }
0x4d: {  	s28 =	rddreg [dreg:$0x5];
	[sflag:s8] =	ssyncset.done $0x0  }
0x4e: {  	[sflag:s8] =	ssyncadd.s32 $0xFFFFF800;
	s20 =	sadd.s32 $0x0, s28  }
0x4f: {  	[hbm4b:s20+s2] =	stream.linear.scatter [tilespmem:s14], [sflag:$0x2], $0x800, $0x38;
	[tilespmem:$0x7400] =	vst v63  }
0x50: {  	_ =	swait.ge [sflag:s8], $0x800  }
0x51: {  	s29 =	rddreg [dreg:$0x4];
	[sflag:s8] =	ssyncset.done $0x0  }
0x52: {  	[sflag:s8] =	ssyncadd.s32 $0xFFFFF800;
	s20 =	sadd.s32 $0x0, s29  }
0x53: {  	[hbm4b:s20+s2] =	stream.linear.scatter [tilespmem:s15], [sflag:$0x2], $0x800, $0x38;
	[tilespmem:$0x7400] =	vst v63  }
0x54: {  	_ =	swait.ge [sflag:s8], $0x800  }
0x55: {  	s30 =	rddreg [dreg:$0x3];
	[sflag:s8] =	ssyncset.done $0x0  }
0x56: {  	[sflag:s8] =	ssyncadd.s32 $0xFFFFF800;
	s20 =	sadd.s32 $0x0, s30  }
0x57: {  	[hbm4b:s20+s2] =	stream.linear.scatter [tilespmem:s16], [sflag:$0x2], $0x800, $0x38;
	[tilespmem:$0x7400] =	vst v63  }
0x58: {  	_ =	swait.ge [sflag:s8], $0x800  }
0x59: {  	[sflag:s8] =	ssyncset.done $0x0  }
0x5a: {  	s31 =	sadd.s32 $0x0, s7;
	[sflag:s8] =	ssyncadd.s32 $0xFFFFF800  }
0x5b: {  	[hbm4b:s31+s2] =	stream.linear.scatter [tilespmem:s17], [sflag:$0x2], $0x800, $0x38;
	[tilespmem:$0x7400] =	vst v63  }
0x5c: {  	_ =	swait.ge [sflag:s8], $0x800  }
0x5d: {  	s21 =	simm.s32 $0x0;
	s20 =	simm.s32 $0x800;
	[sflag:s8] =	ssyncset.done $0x0  }
.LBB2_2:
0x5e: {  	[sflag:s8] =	ssyncadd.s32 $0xFFFFF800;
	s21 =	sadd.s32 $0x400, s21  }
0x5f: {  	[tilespmem:s10], [sflag:$0x1] =	stream.indirect.gather [hbm4b:s3+s9], $0x10, s21, s9, $0xb8;
	[tilespmem:$0x7400] =	vst v63  }
0x60: {  	s23 =	sadd.s32 $0x80, s21  }
0x61: {  	[tilespmem:s11], [sflag:$0x1] =	stream.indirect.gather [hbm4b:s3+s9], $0x10, s23, s9, $0xb8;
	[tilespmem:$0x7400] =	vst v63  }
0x62: {  	s25 =	sadd.s32 $0x100, s21  }
0x63: {  	[tilespmem:s12], [sflag:$0x1] =	stream.indirect.gather [hbm4b:s3+s9], $0x10, s25, s9, $0xb8;
	[tilespmem:$0x7400] =	vst v63  }
0x64: {  	s26 =	sadd.s32 $0x180, s21  }
0x65: {  	[tilespmem:s13], [sflag:$0x1] =	stream.indirect.gather [hbm4b:s3+s9], $0x10, s26, s9, $0xb8;
	[tilespmem:$0x7400] =	vst v63  }
0x66: {  	s28 =	sadd.s32 $0x200, s21  }
0x67: {  	[tilespmem:s14], [sflag:$0x1] =	stream.indirect.gather [hbm4b:s3+s9], $0x10, s28, s9, $0xb8;
	[tilespmem:$0x7400] =	vst v63  }
0x68: {  	s29 =	sadd.s32 $0x280, s21  }
0x69: {  	[tilespmem:s15], [sflag:$0x1] =	stream.indirect.gather [hbm4b:s3+s9], $0x10, s29, s9, $0xb8;
	[tilespmem:$0x7400] =	vst v63  }
0x6a: {  	s30 =	sadd.s32 $0x300, s21  }
0x6b: {  	[tilespmem:s16], [sflag:$0x1] =	stream.indirect.gather [hbm4b:s3+s9], $0x10, s30, s9, $0xb8;
	[tilespmem:$0x7400] =	vst v63  }
0x6c: {  	s31 =	sadd.s32 $0x380, s21  }
0x6d: {  	[tilespmem:s17], [sflag:$0x1] =	stream.indirect.gather [hbm4b:s3+s9], $0x10, s31, s9, $0xb8;
	[tilespmem:$0x7400] =	vst v63  }
0x6e: {  	_ =	swait.ge [sflag:s18], $0x800  }
0x6f: {  	[sflag:s18] =	ssyncset.done $0x0  }
0x70: {  	[sflag:s18] =	ssyncadd.s32 $0xFFFFF800  }
0x71: {  	_ =	swait.ge [sflag:s18], $0x800  }
0x72: {  	[sflag:s18] =	ssyncset.done $0x0  }
0x73: {  	[sflag:s18] =	ssyncadd.s32 $0xFFFFF800  }
0x74: {  	_ =	swait.ge [sflag:s18], $0x800  }
0x75: {  	[sflag:s18] =	ssyncset.done $0x0  }
0x76: {  	[sflag:s18] =	ssyncadd.s32 $0xFFFFF800  }
0x77: {  	_ =	swait.ge [sflag:s18], $0x800  }
0x78: {  	[sflag:s18] =	ssyncset.done $0x0  }
0x79: {  	[sflag:s18] =	ssyncadd.s32 $0xFFFFF800  }
0x7a: {  	_ =	swait.ge [sflag:s18], $0x800  }
0x7b: {  	[sflag:s18] =	ssyncset.done $0x0  }
0x7c: {  	[sflag:s18] =	ssyncadd.s32 $0xFFFFF800  }
0x7d: {  	_ =	swait.ge [sflag:s18], $0x800  }
0x7e: {  	[sflag:s18] =	ssyncset.done $0x0  }
0x7f: {  	[sflag:s18] =	ssyncadd.s32 $0xFFFFF800  }
0x80: {  	_ =	swait.ge [sflag:s18], $0x800  }
0x81: {  	[sflag:s18] =	ssyncset.done $0x0  }
0x82: {  	[sflag:s18] =	ssyncadd.s32 $0xFFFFF800  }
0x83: {  	_ =	swait.ge [sflag:s18], $0x800  }
0x84: {  	s22 =	smov.u32 s20;
	s24 =	rddreg [dreg:$0x2];
	[sflag:s18] =	ssyncset.done $0x0  }
0x85: {  	[sflag:s18] =	ssyncadd.s32 $0xFFFFF800;
	s23 =	sadd.s32 s22, s24  }
0x86: {  	[hbm4b:s23+s2] =	stream.linear.scatter [tilespmem:s10], [sflag:$0x2], $0x800, $0x38;
	[tilespmem:$0x7400] =	vst v63  }
0x87: {  	_ =	swait.ge [sflag:s8], $0x800  }
0x88: {  	[sflag:s8] =	ssyncset.done $0x0  }
0x89: {  	s25 =	sadd.s32 s22, s6;
	[sflag:s8] =	ssyncadd.s32 $0xFFFFF800  }
0x8a: {  	[hbm4b:s25+s2] =	stream.linear.scatter [tilespmem:s11], [sflag:$0x2], $0x800, $0x38;
	[tilespmem:$0x7400] =	vst v63  }
0x8b: {  	_ =	swait.ge [sflag:s8], $0x800  }
0x8c: {  	s26 =	rddreg [dreg:$0x7];
	[sflag:s8] =	ssyncset.done $0x0  }
0x8d: {  	[sflag:s8] =	ssyncadd.s32 $0xFFFFF800;
	s23 =	sadd.s32 s22, s26  }
0x8e: {  	[hbm4b:s23+s2] =	stream.linear.scatter [tilespmem:s12], [sflag:$0x2], $0x800, $0x38;
	[tilespmem:$0x7400] =	vst v63  }
0x8f: {  	_ =	swait.ge [sflag:s8], $0x800  }
0x90: {  	s28 =	rddreg [dreg:$0x6];
	[sflag:s8] =	ssyncset.done $0x0  }
0x91: {  	[sflag:s8] =	ssyncadd.s32 $0xFFFFF800;
	s23 =	sadd.s32 s22, s28  }
0x92: {  	[hbm4b:s23+s2] =	stream.linear.scatter [tilespmem:s13], [sflag:$0x2], $0x800, $0x38;
	[tilespmem:$0x7400] =	vst v63  }
0x93: {  	_ =	swait.ge [sflag:s8], $0x800  }
0x94: {  	s29 =	rddreg [dreg:$0x5];
	[sflag:s8] =	ssyncset.done $0x0  }
0x95: {  	[sflag:s8] =	ssyncadd.s32 $0xFFFFF800;
	s23 =	sadd.s32 s22, s29  }
0x96: {  	[hbm4b:s23+s2] =	stream.linear.scatter [tilespmem:s14], [sflag:$0x2], $0x800, $0x38;
	[tilespmem:$0x7400] =	vst v63  }
0x97: {  	_ =	swait.ge [sflag:s8], $0x800  }
0x98: {  	s30 =	rddreg [dreg:$0x4];
	[sflag:s8] =	ssyncset.done $0x0  }
0x99: {  	[sflag:s8] =	ssyncadd.s32 $0xFFFFF800;
	s23 =	sadd.s32 s22, s30  }
0x9a: {  	[hbm4b:s23+s2] =	stream.linear.scatter [tilespmem:s15], [sflag:$0x2], $0x800, $0x38;
	[tilespmem:$0x7400] =	vst v63  }
0x9b: {  	_ =	swait.ge [sflag:s8], $0x800  }
0x9c: {  	s31 =	rddreg [dreg:$0x3];
	[sflag:s8] =	ssyncset.done $0x0  }
0x9d: {  	[sflag:s8] =	ssyncadd.s32 $0xFFFFF800;
	s23 =	sadd.s32 s22, s31  }
0x9e: {  	[hbm4b:s23+s2] =	stream.linear.scatter [tilespmem:s16], [sflag:$0x2], $0x800, $0x38;
	[tilespmem:$0x7400] =	vst v63  }
0x9f: {  	p0 =	sne.s32 s20, $0x6000;
	_ =	swait.ge [sflag:s8], $0x800  }
.Ltmp0:
0xa0: {  	[sflag:s8] =	ssyncset.done $0x0;
	(pc) =	sbr.rel @p0 .LBB2_2-.Ltmp0, $4  }
0xa1: {  	s22 =	sadd.s32 s22, s7;
	[sflag:s8] =	ssyncadd.s32 $0xFFFFF800  }
0xa2: {  	[hbm4b:s22+s2] =	stream.linear.scatter [tilespmem:s17], [sflag:$0x2], $0x800, $0x38;
	[tilespmem:$0x7400] =	vst v63  }
0xa3: {  	_ =	swait.ge [sflag:s8], $0x800  }
0xa4: {  	s20 =	sadd.s32 $0x800, s20;
	[sflag:s8] =	ssyncset.done $0x0  }
0xa5: {  	s19 =	sadd.s32 $0x1, s19  }
0xa6: {  	p0 =	sne.s32 s19, s5  }
.Ltmp1:
0xa7: {  	_ = 	snop;
	(pc) =	sbr.rel @p0 .LBB2_1-.Ltmp1, $2  }
0xa8: {  	_ =	sdelay $0x2  }
0xa9: {  	[sflag:s8] =	ssyncadd.s32 $0xFFFFF800  }
0xaa: {  	_ =	sfence.sel $0x180000  }
0xab: {  	[bflag:$0x0] =	sbarrier.arrive $0xFFFF  }
0xac: {  	p0 =	sne.s32 s0, $0x0;
	_ =	strace $0x90000047  }
0xad: {  	s0 =	sadd.s32 @!p0 $0x100000, s1;
	[bflag:$0x2] =	sbarrier.arrive $0xFFFF  }
0xae: {  	[sflag:s0] =	ssyncadd.tile.s32 @!p0 $0x1;
	_ =	shalt  }
.Lfunc_end2:
_tile_overlayer_lowered:
.L_overlay_start_2:
0xaf: {  	(tag) =	ssettag $0x2  }
0xb0: {  	s0 =	rddreg [dreg:$0x0];
	s2 =	stileid.u32  }
0xb1: {  	s1 =	rddreg [dreg:$0x1];
	p0 =	sne.s32 s2, $0x0  }
0xb2: {  	s3 =	rddreg [dreg:$0x2];
	[bflag:$0x3] =	sbarrier.arrive $0xFFFF;
	s2 =	simm.s32 @!p0 $0x1C02  }
0xb3: {  	[timem:s3], [sflag:s2] =	dma.local @!p0 [hbm:s0], s1  }
0xb4: {  	s0 =	simm.s32 @!p0 $0x2  }
0xb5: {  	_ =	swait.ge @!p0 [sflag:s0], s1  }
0xb6: {  	s1 =	ssub.s32 @!p0 $0x0, s1;
	[sflag:s0] =	ssyncset.done @!p0 $0x0  }
0xb7: {  	[sflag:s0] =	ssyncadd.s32 @!p0 s1  }
0xb8: {  	[bflag:$0x3] =	sbarrier.arrive $0xFFFF  }
0xb9: {  	_ =	shalt  }

</sc_bundles>
